<compile_context>
chip_gen: v7x
topology: tpu7x:2x2x1
jax: 0.10.2.dev20260603
libtpu: 0.0.44.dev20260713+nightly
codegen_flags: <defaults>
</compile_context>

<pallas_src>
import functools

import jax
import jax.numpy as jnp
from jax import lax
from jax.experimental import pallas as pl
from jax.experimental.pallas import tpu as pltpu
from jax.experimental.pallas import tpu_sc as plsc

_PAD = 128



def _l1_body(hid, e_ref, w1_ref, b1_ref, o_ref):
    h = jnp.dot(e_ref[...], w1_ref[...], preferred_element_type=jnp.float32)
    o_ref[:, :hid] = jnp.maximum(h + b1_ref[...], 0.0)
    o_ref[:, hid:] = jnp.zeros((o_ref.shape[0], _PAD - hid), jnp.float32)


def _layer1(esm, W1, b1, row_block):
    g, d = esm.shape
    hid = W1.shape[1]
    grid = (g + row_block - 1) // row_block
    return pl.pallas_call(
        functools.partial(_l1_body, hid),
        grid=(grid,),
        in_specs=[
            pl.BlockSpec((row_block, d), lambda i: (i, 0)),
            pl.BlockSpec((d, hid), lambda i: (0, 0)),
            pl.BlockSpec((1, hid), lambda i: (0, 0)),
        ],
        out_specs=pl.BlockSpec((row_block, _PAD), lambda i: (i, 0)),
        out_shape=jax.ShapeDtypeStruct((g, _PAD), jnp.float32),
    )(esm, W1, b1.reshape(1, hid))



def _gather_body(n_chunks, ch, nc, idx_hbm, tbl_hbm, out_hbm,
                 idx_v, r0, r1, r2, g0, g1, g2, t0, t1, t2):
    wid = lax.axis_index("s") * nc + lax.axis_index("c")
    per_w = n_chunks * ch
    base = wid * per_w
    pltpu.sync_copy(idx_hbm.at[pl.ds(base, per_w)], idx_v)
    bufs = (r0, r1, r2)
    gsem = (g0, g1, g2)
    ssem = (t0, t1, t2)
    gd = [None] * n_chunks
    sd = [None] * 3

    def gather(i):
        return pltpu.async_copy(
            tbl_hbm.at[idx_v.at[pl.ds(i * ch, ch)]], bufs[i % 3], gsem[i % 3])

    gd[0] = gather(0)
    if n_chunks > 1:
        gd[1] = gather(1)
    for i in range(n_chunks):
        gd[i].wait()
        if i + 2 < n_chunks:
            if sd[(i + 2) % 3] is not None:
                sd[(i + 2) % 3].wait()
                sd[(i + 2) % 3] = None
            gd[i + 2] = gather(i + 2)
        sd[i % 3] = pltpu.async_copy(
            bufs[i % 3], out_hbm.at[pl.ds(base + i * ch, ch)], ssem[i % 3])
    for k in range(3):
        if sd[k] is not None:
            sd[k].wait()


def _sc_gather(table, idx_flat):
    _, hid = table.shape
    bs = idx_flat.shape[0]
    info = plsc.get_sparse_core_info()
    nc, ns = info.num_cores, info.num_subcores
    nw = nc * ns
    per_w = bs // nw
    ch = 320
    n_chunks = per_w // ch
    body = functools.partial(_gather_body, n_chunks, ch, nc)
    kern = pl.kernel(
        body,
        out_type=jax.ShapeDtypeStruct((bs, hid), jnp.float32),
        mesh=plsc.VectorSubcoreMesh(core_axis_name="c", subcore_axis_name="s"),
        scratch_types=[
            pltpu.VMEM((per_w,), jnp.int32),
            pltpu.VMEM((ch, hid), jnp.float32),
            pltpu.VMEM((ch, hid), jnp.float32),
            pltpu.VMEM((ch, hid), jnp.float32),
            pltpu.SemaphoreType.DMA,
            pltpu.SemaphoreType.DMA,
            pltpu.SemaphoreType.DMA,
            pltpu.SemaphoreType.DMA,
            pltpu.SemaphoreType.DMA,
            pltpu.SemaphoreType.DMA,
        ],
        compiler_params=pltpu.CompilerParams(use_tc_tiling_on_sc=True),
    )
    return kern(idx_flat, table)



def _l2_body(x_ref, w2t_ref, b2_ref, *rest):
    o_ref = rest[-1]
    y = lax.dot_general(
        w2t_ref[...], x_ref[0],
        dimension_numbers=(((1,), (1,)), ((), ())),
        preferred_element_type=jnp.float32,
    )
    o_ref[0] = y + b2_ref[...]


def _layer2_t(rows3, W2pT, b2, s_slab, s0, s_total, b, hid, prev):
    in_specs = [
        pl.BlockSpec((1, b, _PAD), lambda i: (i, 0, 0)),
        pl.BlockSpec((hid, _PAD), lambda i: (0, 0)),
        pl.BlockSpec((hid, 1), lambda i: (0, 0)),
    ]
    args = [rows3, W2pT, b2.reshape(hid, 1)]
    kwargs = {}
    if prev is not None:
        in_specs.append(pl.BlockSpec(memory_space=pl.ANY))
        args.append(prev)
        kwargs["input_output_aliases"] = {3: 0}
    return pl.pallas_call(
        _l2_body,
        grid=(s_slab,),
        in_specs=in_specs,
        out_specs=pl.BlockSpec((1, hid, b), lambda i, s0=s0: (i + s0, 0, 0)),
        out_shape=jax.ShapeDtypeStruct((s_total, hid, b), jnp.float32),
        **kwargs,
    )(*args)


def kernel(pert_esm_indices, esm_embeddings, W1, b1, W2, b2):
    idx = pert_esm_indices
    if idx.shape[-1] == 1:
        idx = jnp.squeeze(idx, axis=-1)
    b, s = idx.shape
    d, hid = W1.shape
    W2pT = jnp.pad(W2, ((0, _PAD - hid), (0, 0))).T
    table = _layer1(esm_embeddings, W1, b1, row_block=2000)
    idx_t = idx.T.astype(jnp.int32)

    n_slabs = 2
    s_slab = s // n_slabs
    out_t = None
    slabs = []
    for k in range(n_slabs):
        idx_k = lax.slice_in_dim(idx_t, k * s_slab, (k + 1) * s_slab).reshape(-1)
        slabs.append(_sc_gather(table, idx_k).reshape(s_slab, b, _PAD))
    for k in range(n_slabs):
        out_t = _layer2_t(slabs[k], W2pT, b2, s_slab, k * s_slab, s, b, hid,
                          out_t)
    return jnp.transpose(out_t, (2, 0, 1))

# --- scband reference (transcript-rebuilt; emitter-appended) ---
"""Pipeline reference for scband-esmperturbation-encoder-7662221656530 (READ-ONLY COPY).

The authoritative reference and input builder live on the scoring server;
editing this copy changes nothing except your own understanding.
"""

import jax, jax.numpy as jnp
import numpy as np

NUM_GENES = 20000
ESM_DIM = 1280
HIDDEN = 64
B = 4096
S = 20


def setup_inputs(seed: int = 0) -> dict:
    key = jax.random.key(seed)
    k1, k2, k3, k4 = jax.random.split(key, 4)
    pert_esm_indices = jax.random.randint(k1, (B, S), 0, NUM_GENES)
    esm_embeddings = jax.random.normal(k2, (NUM_GENES, ESM_DIM), dtype=jnp.float32)
    W1 = jax.random.normal(k3, (ESM_DIM, HIDDEN), dtype=jnp.float32) * (1.0 / np.sqrt(ESM_DIM))
    b1 = jnp.zeros((HIDDEN,), dtype=jnp.float32)
    W2 = jax.random.normal(k4, (HIDDEN, HIDDEN), dtype=jnp.float32) * (1.0 / np.sqrt(HIDDEN))
    b2 = jnp.zeros((HIDDEN,), dtype=jnp.float32)
    return {"pert_esm_indices": pert_esm_indices, "esm_embeddings": esm_embeddings,
            "W1": W1, "b1": b1, "W2": W2, "b2": b2}


def reference(pert_esm_indices, esm_embeddings, W1, b1, W2, b2):
    idx = pert_esm_indices
    if idx.shape[-1] == 1:
        idx = jnp.squeeze(idx, axis=-1)
    # embedding lookup: esm_embeddings[idx] -> [B, S, ESM_DIM]
    pert_embeddings = jnp.take(esm_embeddings, idx, axis=0)
    # projection MLP (n_layers=2): Linear -> ReLU -> (dropout=identity in eval) -> Linear
    h = jax.nn.relu(pert_embeddings @ W1 + b1)
    out = h @ W2 + b2
    return out

if __name__ == "__main__":
    import jax
    _d = setup_inputs()
    print(jax.jit(kernel)(*tuple(_d.values())))

</pallas_src>

<mosaic_0001>
#map = affine_map<(d0, d1) -> (0)>
#map1 = affine_map<(d0, d1) -> (0, 0)>
module attributes {stable_mosaic.version = 14 : i64} {
  func.func @_gather_body(%arg0: i32, %arg1: i32, %arg2: memref<40960xi32, #tpu.memory_space<hbm>>, %arg3: memref<20000x128xf32, #tpu.memory_space<hbm>>, %arg4: memref<40960x128xf32, #tpu.memory_space<hbm>>, %arg5: memref<1280xi32, #tpu.memory_space<vmem>>, %arg6: memref<320x128xf32, #tpu.memory_space<vmem>>, %arg7: memref<320x128xf32, #tpu.memory_space<vmem>>, %arg8: memref<320x128xf32, #tpu.memory_space<vmem>>, %arg9: memref<!tpu.dma_semaphore, #tpu.memory_space<semaphore_mem>>, %arg10: memref<!tpu.dma_semaphore, #tpu.memory_space<semaphore_mem>>, %arg11: memref<!tpu.dma_semaphore, #tpu.memory_space<semaphore_mem>>, %arg12: memref<!tpu.dma_semaphore, #tpu.memory_space<semaphore_mem>>, %arg13: memref<!tpu.dma_semaphore, #tpu.memory_space<semaphore_mem>>, %arg14: memref<!tpu.dma_semaphore, #tpu.memory_space<semaphore_mem>>) attributes {dimension_semantics = [#tpu.dimension_semantics<core_parallel>, #tpu.dimension_semantics<subcore_parallel>], iteration_bounds = array<i64: 2, 16>, scalar_prefetch = 0 : i64, scratch_operands = 10 : i64, tpu.core_type = #tpu.core_type<sc_vector_subcore>, window_params = [{transform_indices = #map}, {transform_indices = #map1}, {transform_indices = #map1}]} {
    %mul3A = arith.constant 2 : i32
    %mul3A_0 = arith.muli %arg1, %mul3A : i32
    %add3A = arith.addi %mul3A_0, %arg0 : i32
    %mul3A_1 = arith.constant 1280 : i32
    %mul3A_2 = arith.muli %add3A, %mul3A_1 : i32
    "tpu.region"() ({
      %run_scoped3A = tpu.sem_alloc : memref<!tpu.dma_semaphore, #tpu.memory_space<semaphore_mem>>
      %dma_start3A_81 = tpu.memref_slice %arg2[%mul3A_2] : memref<40960xi32, #tpu.memory_space<hbm>> -> memref<1280xi32, #tpu.memory_space<hbm>>
      %dma_start3A_82 = tpu.memref_slice %arg2[%mul3A_2] : memref<40960xi32, #tpu.memory_space<hbm>> -> memref<1280xi32, #tpu.memory_space<hbm>>
      tpu.enqueue_dma source(%dma_start3A_82 : memref<1280xi32, #tpu.memory_space<hbm>>) target(%arg5 : memref<1280xi32, #tpu.memory_space<vmem>>) target_semaphore(%run_scoped3A : memref<!tpu.dma_semaphore, #tpu.memory_space<semaphore_mem>>)
      %dma_wait3A_83 = tpu.memref_slice %arg2[%mul3A_2] : memref<40960xi32, #tpu.memory_space<hbm>> -> memref<1280xi32, #tpu.memory_space<hbm>>
      %dma_wait3A_84 = tpu.memref_slice %arg2[%mul3A_2] : memref<40960xi32, #tpu.memory_space<hbm>> -> memref<1280xi32, #tpu.memory_space<hbm>>
      tpu.wait_dma2 semaphore(%run_scoped3A : memref<!tpu.dma_semaphore, #tpu.memory_space<semaphore_mem>>) src(%dma_wait3A_84 : memref<1280xi32, #tpu.memory_space<hbm>>) dst(%arg5 : memref<1280xi32, #tpu.memory_space<vmem>>)
      tpu.yield
    }) : () -> ()
    %dma_start3A = arith.constant 0 : i32
    %dma_start3A_3 = tpu.memref_slice %arg5[%dma_start3A] : memref<1280xi32, #tpu.memory_space<vmem>> -> memref<320xi32, #tpu.memory_space<vmem>>
    %dma_start3A_4 = arith.constant 0 : i32
    %dma_start3A_5 = arith.constant 0 : i32
    %dma_start3A_6 = tpu.memref_slice %arg3[%dma_start3A_4, %dma_start3A_5] : memref<20000x128xf32, #tpu.memory_space<hbm>> -> memref<20000x128xf32, #tpu.memory_space<hbm>>
    tpu.enqueue_indirect_dma source(%dma_start3A_6 : memref<20000x128xf32, #tpu.memory_space<hbm>>) target(%arg6 : memref<320x128xf32, #tpu.memory_space<vmem>>) offsets(%dma_start3A_3 : memref<320xi32, #tpu.memory_space<vmem>>) semaphore(%arg9 : memref<!tpu.dma_semaphore, #tpu.memory_space<semaphore_mem>>)
    %dma_start3A_7 = arith.constant 320 : i32
    %dma_start3A_8 = tpu.memref_slice %arg5[%dma_start3A_7] : memref<1280xi32, #tpu.memory_space<vmem>> -> memref<320xi32, #tpu.memory_space<vmem>>
    %dma_start3A_9 = arith.constant 0 : i32
    %dma_start3A_10 = arith.constant 0 : i32
    %dma_start3A_11 = tpu.memref_slice %arg3[%dma_start3A_9, %dma_start3A_10] : memref<20000x128xf32, #tpu.memory_space<hbm>> -> memref<20000x128xf32, #tpu.memory_space<hbm>>
    tpu.enqueue_indirect_dma source(%dma_start3A_11 : memref<20000x128xf32, #tpu.memory_space<hbm>>) target(%arg7 : memref<320x128xf32, #tpu.memory_space<vmem>>) offsets(%dma_start3A_8 : memref<320xi32, #tpu.memory_space<vmem>>) semaphore(%arg10 : memref<!tpu.dma_semaphore, #tpu.memory_space<semaphore_mem>>)
    %dma_wait3A = arith.constant 0 : i32
    %dma_wait3A_12 = tpu.memref_slice %arg5[%dma_wait3A] : memref<1280xi32, #tpu.memory_space<vmem>> -> memref<320xi32, #tpu.memory_space<vmem>>
    %dma_wait3A_13 = arith.constant 0 : i32
    %dma_wait3A_14 = arith.constant 0 : i32
    %dma_wait3A_15 = tpu.memref_slice %arg3[%dma_wait3A_13, %dma_wait3A_14] : memref<20000x128xf32, #tpu.memory_space<hbm>> -> memref<20000x128xf32, #tpu.memory_space<hbm>>
    tpu.wait_indirect_dma semaphore(%arg9 : memref<!tpu.dma_semaphore, #tpu.memory_space<semaphore_mem>>) src(%dma_wait3A_15 : memref<20000x128xf32, #tpu.memory_space<hbm>>) dst(%arg6 : memref<320x128xf32, #tpu.memory_space<vmem>>)
    %dma_start3A_16 = arith.constant 640 : i32
    %dma_start3A_17 = tpu.memref_slice %arg5[%dma_start3A_16] : memref<1280xi32, #tpu.memory_space<vmem>> -> memref<320xi32, #tpu.memory_space<vmem>>
    %dma_start3A_18 = arith.constant 0 : i32
    %dma_start3A_19 = arith.constant 0 : i32
    %dma_start3A_20 = tpu.memref_slice %arg3[%dma_start3A_18, %dma_start3A_19] : memref<20000x128xf32, #tpu.memory_space<hbm>> -> memref<20000x128xf32, #tpu.memory_space<hbm>>
    tpu.enqueue_indirect_dma source(%dma_start3A_20 : memref<20000x128xf32, #tpu.memory_space<hbm>>) target(%arg8 : memref<320x128xf32, #tpu.memory_space<vmem>>) offsets(%dma_start3A_17 : memref<320xi32, #tpu.memory_space<vmem>>) semaphore(%arg11 : memref<!tpu.dma_semaphore, #tpu.memory_space<semaphore_mem>>)
    %add3A_21 = arith.constant 0 : i32
    %add3A_22 = arith.addi %mul3A_2, %add3A_21 : i32
    %dma_start3A_23 = arith.constant 0 : i32
    %dma_start3A_24 = tpu.memref_slice %arg4[%add3A_22, %dma_start3A_23] : memref<40960x128xf32, #tpu.memory_space<hbm>> -> memref<320x128xf32, #tpu.memory_space<hbm>>
    %dma_start3A_25 = arith.constant 0 : i32
    %dma_start3A_26 = tpu.memref_slice %arg4[%add3A_22, %dma_start3A_25] : memref<40960x128xf32, #tpu.memory_space<hbm>> -> memref<320x128xf32, #tpu.memory_space<hbm>>
    tpu.enqueue_dma source(%arg6 : memref<320x128xf32, #tpu.memory_space<vmem>>) target(%dma_start3A_26 : memref<320x128xf32, #tpu.memory_space<hbm>>) target_semaphore(%arg12 : memref<!tpu.dma_semaphore, #tpu.memory_space<semaphore_mem>>)
    %dma_wait3A_27 = arith.constant 320 : i32
    %dma_wait3A_28 = tpu.memref_slice %arg5[%dma_wait3A_27] : memref<1280xi32, #tpu.memory_space<vmem>> -> memref<320xi32, #tpu.memory_space<vmem>>
    %dma_wait3A_29 = arith.constant 0 : i32
    %dma_wait3A_30 = arith.constant 0 : i32
    %dma_wait3A_31 = tpu.memref_slice %arg3[%dma_wait3A_29, %dma_wait3A_30] : memref<20000x128xf32, #tpu.memory_space<hbm>> -> memref<20000x128xf32, #tpu.memory_space<hbm>>
    tpu.wait_indirect_dma semaphore(%arg10 : memref<!tpu.dma_semaphore, #tpu.memory_space<semaphore_mem>>) src(%dma_wait3A_31 : memref<20000x128xf32, #tpu.memory_space<hbm>>) dst(%arg7 : memref<320x128xf32, #tpu.memory_space<vmem>>)
    %dma_wait3A_32 = arith.constant 0 : i32
    %dma_wait3A_33 = tpu.memref_slice %arg4[%add3A_22, %dma_wait3A_32] : memref<40960x128xf32, #tpu.memory_space<hbm>> -> memref<320x128xf32, #tpu.memory_space<hbm>>
    %dma_wait3A_34 = arith.constant 0 : i32
    %dma_wait3A_35 = tpu.memref_slice %arg4[%add3A_22, %dma_wait3A_34] : memref<40960x128xf32, #tpu.memory_space<hbm>> -> memref<320x128xf32, #tpu.memory_space<hbm>>
    tpu.wait_dma2 semaphore(%arg12 : memref<!tpu.dma_semaphore, #tpu.memory_space<semaphore_mem>>) src(%arg6 : memref<320x128xf32, #tpu.memory_space<vmem>>) dst(%dma_wait3A_35 : memref<320x128xf32, #tpu.memory_space<hbm>>)
    %dma_start3A_36 = arith.constant 960 : i32
    %dma_start3A_37 = tpu.memref_slice %arg5[%dma_start3A_36] : memref<1280xi32, #tpu.memory_space<vmem>> -> memref<320xi32, #tpu.memory_space<vmem>>
    %dma_start3A_38 = arith.constant 0 : i32
    %dma_start3A_39 = arith.constant 0 : i32
    %dma_start3A_40 = tpu.memref_slice %arg3[%dma_start3A_38, %dma_start3A_39] : memref<20000x128xf32, #tpu.memory_space<hbm>> -> memref<20000x128xf32, #tpu.memory_space<hbm>>
    tpu.enqueue_indirect_dma source(%dma_start3A_40 : memref<20000x128xf32, #tpu.memory_space<hbm>>) target(%arg6 : memref<320x128xf32, #tpu.memory_space<vmem>>) offsets(%dma_start3A_37 : memref<320xi32, #tpu.memory_space<vmem>>) semaphore(%arg9 : memref<!tpu.dma_semaphore, #tpu.memory_space<semaphore_mem>>)
    %add3A_41 = arith.constant 320 : i32
    %add3A_42 = arith.addi %mul3A_2, %add3A_41 : i32
    %dma_start3A_43 = arith.constant 0 : i32
    %dma_start3A_44 = tpu.memref_slice %arg4[%add3A_42, %dma_start3A_43] : memref<40960x128xf32, #tpu.memory_space<hbm>> -> memref<320x128xf32, #tpu.memory_space<hbm>>
    %dma_start3A_45 = arith.constant 0 : i32
    %dma_start3A_46 = tpu.memref_slice %arg4[%add3A_42, %dma_start3A_45] : memref<40960x128xf32, #tpu.memory_space<hbm>> -> memref<320x128xf32, #tpu.memory_space<hbm>>
    tpu.enqueue_dma source(%arg7 : memref<320x128xf32, #tpu.memory_space<vmem>>) target(%dma_start3A_46 : memref<320x128xf32, #tpu.memory_space<hbm>>) target_semaphore(%arg13 : memref<!tpu.dma_semaphore, #tpu.memory_space<semaphore_mem>>)
    %dma_wait3A_47 = arith.constant 640 : i32
    %dma_wait3A_48 = tpu.memref_slice %arg5[%dma_wait3A_47] : memref<1280xi32, #tpu.memory_space<vmem>> -> memref<320xi32, #tpu.memory_space<vmem>>
    %dma_wait3A_49 = arith.constant 0 : i32
    %dma_wait3A_50 = arith.constant 0 : i32
    %dma_wait3A_51 = tpu.memref_slice %arg3[%dma_wait3A_49, %dma_wait3A_50] : memref<20000x128xf32, #tpu.memory_space<hbm>> -> memref<20000x128xf32, #tpu.memory_space<hbm>>
    tpu.wait_indirect_dma semaphore(%arg11 : memref<!tpu.dma_semaphore, #tpu.memory_space<semaphore_mem>>) src(%dma_wait3A_51 : memref<20000x128xf32, #tpu.memory_space<hbm>>) dst(%arg8 : memref<320x128xf32, #tpu.memory_space<vmem>>)
    %add3A_52 = arith.constant 640 : i32
    %add3A_53 = arith.addi %mul3A_2, %add3A_52 : i32
    %dma_start3A_54 = arith.constant 0 : i32
    %dma_start3A_55 = tpu.memref_slice %arg4[%add3A_53, %dma_start3A_54] : memref<40960x128xf32, #tpu.memory_space<hbm>> -> memref<320x128xf32, #tpu.memory_space<hbm>>
    %dma_start3A_56 = arith.constant 0 : i32
    %dma_start3A_57 = tpu.memref_slice %arg4[%add3A_53, %dma_start3A_56] : memref<40960x128xf32, #tpu.memory_space<hbm>> -> memref<320x128xf32, #tpu.memory_space<hbm>>
    tpu.enqueue_dma source(%arg8 : memref<320x128xf32, #tpu.memory_space<vmem>>) target(%dma_start3A_57 : memref<320x128xf32, #tpu.memory_space<hbm>>) target_semaphore(%arg14 : memref<!tpu.dma_semaphore, #tpu.memory_space<semaphore_mem>>)
    %dma_wait3A_58 = arith.constant 960 : i32
    %dma_wait3A_59 = tpu.memref_slice %arg5[%dma_wait3A_58] : memref<1280xi32, #tpu.memory_space<vmem>> -> memref<320xi32, #tpu.memory_space<vmem>>
    %dma_wait3A_60 = arith.constant 0 : i32
    %dma_wait3A_61 = arith.constant 0 : i32
    %dma_wait3A_62 = tpu.memref_slice %arg3[%dma_wait3A_60, %dma_wait3A_61] : memref<20000x128xf32, #tpu.memory_space<hbm>> -> memref<20000x128xf32, #tpu.memory_space<hbm>>
    tpu.wait_indirect_dma semaphore(%arg9 : memref<!tpu.dma_semaphore, #tpu.memory_space<semaphore_mem>>) src(%dma_wait3A_62 : memref<20000x128xf32, #tpu.memory_space<hbm>>) dst(%arg6 : memref<320x128xf32, #tpu.memory_space<vmem>>)
    %add3A_63 = arith.constant 960 : i32
    %add3A_64 = arith.addi %mul3A_2, %add3A_63 : i32
    %dma_start3A_65 = arith.constant 0 : i32
    %dma_start3A_66 = tpu.memref_slice %arg4[%add3A_64, %dma_start3A_65] : memref<40960x128xf32, #tpu.memory_space<hbm>> -> memref<320x128xf32, #tpu.memory_space<hbm>>
    %dma_start3A_67 = arith.constant 0 : i32
    %dma_start3A_68 = tpu.memref_slice %arg4[%add3A_64, %dma_start3A_67] : memref<40960x128xf32, #tpu.memory_space<hbm>> -> memref<320x128xf32, #tpu.memory_space<hbm>>
    tpu.enqueue_dma source(%arg6 : memref<320x128xf32, #tpu.memory_space<vmem>>) target(%dma_start3A_68 : memref<320x128xf32, #tpu.memory_space<hbm>>) target_semaphore(%arg12 : memref<!tpu.dma_semaphore, #tpu.memory_space<semaphore_mem>>)
    %dma_wait3A_69 = arith.constant 0 : i32
    %dma_wait3A_70 = tpu.memref_slice %arg4[%add3A_64, %dma_wait3A_69] : memref<40960x128xf32, #tpu.memory_space<hbm>> -> memref<320x128xf32, #tpu.memory_space<hbm>>
    %dma_wait3A_71 = arith.constant 0 : i32
    %dma_wait3A_72 = tpu.memref_slice %arg4[%add3A_64, %dma_wait3A_71] : memref<40960x128xf32, #tpu.memory_space<hbm>> -> memref<320x128xf32, #tpu.memory_space<hbm>>
    tpu.wait_dma2 semaphore(%arg12 : memref<!tpu.dma_semaphore, #tpu.memory_space<semaphore_mem>>) src(%arg6 : memref<320x128xf32, #tpu.memory_space<vmem>>) dst(%dma_wait3A_72 : memref<320x128xf32, #tpu.memory_space<hbm>>)
    %dma_wait3A_73 = arith.constant 0 : i32
    %dma_wait3A_74 = tpu.memref_slice %arg4[%add3A_42, %dma_wait3A_73] : memref<40960x128xf32, #tpu.memory_space<hbm>> -> memref<320x128xf32, #tpu.memory_space<hbm>>
    %dma_wait3A_75 = arith.constant 0 : i32
    %dma_wait3A_76 = tpu.memref_slice %arg4[%add3A_42, %dma_wait3A_75] : memref<40960x128xf32, #tpu.memory_space<hbm>> -> memref<320x128xf32, #tpu.memory_space<hbm>>
    tpu.wait_dma2 semaphore(%arg13 : memref<!tpu.dma_semaphore, #tpu.memory_space<semaphore_mem>>) src(%arg7 : memref<320x128xf32, #tpu.memory_space<vmem>>) dst(%dma_wait3A_76 : memref<320x128xf32, #tpu.memory_space<hbm>>)
    %dma_wait3A_77 = arith.constant 0 : i32
    %dma_wait3A_78 = tpu.memref_slice %arg4[%add3A_53, %dma_wait3A_77] : memref<40960x128xf32, #tpu.memory_space<hbm>> -> memref<320x128xf32, #tpu.memory_space<hbm>>
    %dma_wait3A_79 = arith.constant 0 : i32
    %dma_wait3A_80 = tpu.memref_slice %arg4[%add3A_53, %dma_wait3A_79] : memref<40960x128xf32, #tpu.memory_space<hbm>> -> memref<320x128xf32, #tpu.memory_space<hbm>>
    tpu.wait_dma2 semaphore(%arg14 : memref<!tpu.dma_semaphore, #tpu.memory_space<semaphore_mem>>) src(%arg8 : memref<320x128xf32, #tpu.memory_space<vmem>>) dst(%dma_wait3A_80 : memref<320x128xf32, #tpu.memory_space<hbm>>)
    return
  }
}

#map = affine_map<(d0, d1) -> (0)>
#map1 = affine_map<(d0, d1) -> (0, 0)>
module attributes {stable_mosaic.version = 14 : i64} {
  func.func @_gather_body(%arg0: i32, %arg1: i32, %arg2: memref<40960xi32, #tpu.memory_space<hbm>>, %arg3: memref<20000x128xf32, #tpu.memory_space<hbm>>, %arg4: memref<40960x128xf32, #tpu.memory_space<hbm>>, %arg5: memref<1280xi32, #tpu.memory_space<vmem>>, %arg6: memref<320x128xf32, #tpu.memory_space<vmem>>, %arg7: memref<320x128xf32, #tpu.memory_space<vmem>>, %arg8: memref<320x128xf32, #tpu.memory_space<vmem>>, %arg9: memref<!tpu.dma_semaphore, #tpu.memory_space<semaphore_mem>>, %arg10: memref<!tpu.dma_semaphore, #tpu.memory_space<semaphore_mem>>, %arg11: memref<!tpu.dma_semaphore, #tpu.memory_space<semaphore_mem>>, %arg12: memref<!tpu.dma_semaphore, #tpu.memory_space<semaphore_mem>>, %arg13: memref<!tpu.dma_semaphore, #tpu.memory_space<semaphore_mem>>, %arg14: memref<!tpu.dma_semaphore, #tpu.memory_space<semaphore_mem>>) attributes {dimension_semantics = [#tpu.dimension_semantics<core_parallel>, #tpu.dimension_semantics<subcore_parallel>], iteration_bounds = array<i64: 2, 16>, scalar_prefetch = 0 : i64, scratch_operands = 10 : i64, tpu.core_type = #tpu.core_type<sc_vector_subcore>, window_params = [{transform_indices = #map}, {transform_indices = #map1}, {transform_indices = #map1}]} {
    %mul3A = arith.constant 2 : i32
    %mul3A_0 = arith.muli %arg1, %mul3A : i32
    %add3A = arith.addi %mul3A_0, %arg0 : i32
    %mul3A_1 = arith.constant 1280 : i32
    %mul3A_2 = arith.muli %add3A, %mul3A_1 : i32
    "tpu.region"() ({
      %run_scoped3A = tpu.sem_alloc : memref<!tpu.dma_semaphore, #tpu.memory_space<semaphore_mem>>
      %dma_start3A_81 = tpu.memref_slice %arg2[%mul3A_2] : memref<40960xi32, #tpu.memory_space<hbm>> -> memref<1280xi32, #tpu.memory_space<hbm>>
      %dma_start3A_82 = tpu.memref_slice %arg2[%mul3A_2] : memref<40960xi32, #tpu.memory_space<hbm>> -> memref<1280xi32, #tpu.memory_space<hbm>>
      tpu.enqueue_dma source(%dma_start3A_82 : memref<1280xi32, #tpu.memory_space<hbm>>) target(%arg5 : memref<1280xi32, #tpu.memory_space<vmem>>) target_semaphore(%run_scoped3A : memref<!tpu.dma_semaphore, #tpu.memory_space<semaphore_mem>>)
      %dma_wait3A_83 = tpu.memref_slice %arg2[%mul3A_2] : memref<40960xi32, #tpu.memory_space<hbm>> -> memref<1280xi32, #tpu.memory_space<hbm>>
      %dma_wait3A_84 = tpu.memref_slice %arg2[%mul3A_2] : memref<40960xi32, #tpu.memory_space<hbm>> -> memref<1280xi32, #tpu.memory_space<hbm>>
      tpu.wait_dma2 semaphore(%run_scoped3A : memref<!tpu.dma_semaphore, #tpu.memory_space<semaphore_mem>>) src(%dma_wait3A_84 : memref<1280xi32, #tpu.memory_space<hbm>>) dst(%arg5 : memref<1280xi32, #tpu.memory_space<vmem>>)
      tpu.yield
    }) : () -> ()
    %dma_start3A = arith.constant 0 : i32
    %dma_start3A_3 = tpu.memref_slice %arg5[%dma_start3A] : memref<1280xi32, #tpu.memory_space<vmem>> -> memref<320xi32, #tpu.memory_space<vmem>>
    %dma_start3A_4 = arith.constant 0 : i32
    %dma_start3A_5 = arith.constant 0 : i32
    %dma_start3A_6 = tpu.memref_slice %arg3[%dma_start3A_4, %dma_start3A_5] : memref<20000x128xf32, #tpu.memory_space<hbm>> -> memref<20000x128xf32, #tpu.memory_space<hbm>>
    tpu.enqueue_indirect_dma source(%dma_start3A_6 : memref<20000x128xf32, #tpu.memory_space<hbm>>) target(%arg6 : memref<320x128xf32, #tpu.memory_space<vmem>>) offsets(%dma_start3A_3 : memref<320xi32, #tpu.memory_space<vmem>>) semaphore(%arg9 : memref<!tpu.dma_semaphore, #tpu.memory_space<semaphore_mem>>)
    %dma_start3A_7 = arith.constant 320 : i32
    %dma_start3A_8 = tpu.memref_slice %arg5[%dma_start3A_7] : memref<1280xi32, #tpu.memory_space<vmem>> -> memref<320xi32, #tpu.memory_space<vmem>>
    %dma_start3A_9 = arith.constant 0 : i32
    %dma_start3A_10 = arith.constant 0 : i32
    %dma_start3A_11 = tpu.memref_slice %arg3[%dma_start3A_9, %dma_start3A_10] : memref<20000x128xf32, #tpu.memory_space<hbm>> -> memref<20000x128xf32, #tpu.memory_space<hbm>>
    tpu.enqueue_indirect_dma source(%dma_start3A_11 : memref<20000x128xf32, #tpu.memory_space<hbm>>) target(%arg7 : memref<320x128xf32, #tpu.memory_space<vmem>>) offsets(%dma_start3A_8 : memref<320xi32, #tpu.memory_space<vmem>>) semaphore(%arg10 : memref<!tpu.dma_semaphore, #tpu.memory_space<semaphore_mem>>)
    %dma_wait3A = arith.constant 0 : i32
    %dma_wait3A_12 = tpu.memref_slice %arg5[%dma_wait3A] : memref<1280xi32, #tpu.memory_space<vmem>> -> memref<320xi32, #tpu.memory_space<vmem>>
    %dma_wait3A_13 = arith.constant 0 : i32
    %dma_wait3A_14 = arith.constant 0 : i32
    %dma_wait3A_15 = tpu.memref_slice %arg3[%dma_wait3A_13, %dma_wait3A_14] : memref<20000x128xf32, #tpu.memory_space<hbm>> -> memref<20000x128xf32, #tpu.memory_space<hbm>>
    tpu.wait_indirect_dma semaphore(%arg9 : memref<!tpu.dma_semaphore, #tpu.memory_space<semaphore_mem>>) src(%dma_wait3A_15 : memref<20000x128xf32, #tpu.memory_space<hbm>>) dst(%arg6 : memref<320x128xf32, #tpu.memory_space<vmem>>)
    %dma_start3A_16 = arith.constant 640 : i32
    %dma_start3A_17 = tpu.memref_slice %arg5[%dma_start3A_16] : memref<1280xi32, #tpu.memory_space<vmem>> -> memref<320xi32, #tpu.memory_space<vmem>>
    %dma_start3A_18 = arith.constant 0 : i32
    %dma_start3A_19 = arith.constant 0 : i32
    %dma_start3A_20 = tpu.memref_slice %arg3[%dma_start3A_18, %dma_start3A_19] : memref<20000x128xf32, #tpu.memory_space<hbm>> -> memref<20000x128xf32, #tpu.memory_space<hbm>>
    tpu.enqueue_indirect_dma source(%dma_start3A_20 : memref<20000x128xf32, #tpu.memory_space<hbm>>) target(%arg8 : memref<320x128xf32, #tpu.memory_space<vmem>>) offsets(%dma_start3A_17 : memref<320xi32, #tpu.memory_space<vmem>>) semaphore(%arg11 : memref<!tpu.dma_semaphore, #tpu.memory_space<semaphore_mem>>)
    %add3A_21 = arith.constant 0 : i32
    %add3A_22 = arith.addi %mul3A_2, %add3A_21 : i32
    %dma_start3A_23 = arith.constant 0 : i32
    %dma_start3A_24 = tpu.memref_slice %arg4[%add3A_22, %dma_start3A_23] : memref<40960x128xf32, #tpu.memory_space<hbm>> -> memref<320x128xf32, #tpu.memory_space<hbm>>
    %dma_start3A_25 = arith.constant 0 : i32
    %dma_start3A_26 = tpu.memref_slice %arg4[%add3A_22, %dma_start3A_25] : memref<40960x128xf32, #tpu.memory_space<hbm>> -> memref<320x128xf32, #tpu.memory_space<hbm>>
    tpu.enqueue_dma source(%arg6 : memref<320x128xf32, #tpu.memory_space<vmem>>) target(%dma_start3A_26 : memref<320x128xf32, #tpu.memory_space<hbm>>) target_semaphore(%arg12 : memref<!tpu.dma_semaphore, #tpu.memory_space<semaphore_mem>>)
    %dma_wait3A_27 = arith.constant 320 : i32
    %dma_wait3A_28 = tpu.memref_slice %arg5[%dma_wait3A_27] : memref<1280xi32, #tpu.memory_space<vmem>> -> memref<320xi32, #tpu.memory_space<vmem>>
    %dma_wait3A_29 = arith.constant 0 : i32
    %dma_wait3A_30 = arith.constant 0 : i32
    %dma_wait3A_31 = tpu.memref_slice %arg3[%dma_wait3A_29, %dma_wait3A_30] : memref<20000x128xf32, #tpu.memory_space<hbm>> -> memref<20000x128xf32, #tpu.memory_space<hbm>>
    tpu.wait_indirect_dma semaphore(%arg10 : memref<!tpu.dma_semaphore, #tpu.memory_space<semaphore_mem>>) src(%dma_wait3A_31 : memref<20000x128xf32, #tpu.memory_space<hbm>>) dst(%arg7 : memref<320x128xf32, #tpu.memory_space<vmem>>)
    %dma_wait3A_32 = arith.constant 0 : i32
    %dma_wait3A_33 = tpu.memref_slice %arg4[%add3A_22, %dma_wait3A_32] : memref<40960x128xf32, #tpu.memory_space<hbm>> -> memref<320x128xf32, #tpu.memory_space<hbm>>
    %dma_wait3A_34 = arith.constant 0 : i32
    %dma_wait3A_35 = tpu.memref_slice %arg4[%add3A_22, %dma_wait3A_34] : memref<40960x128xf32, #tpu.memory_space<hbm>> -> memref<320x128xf32, #tpu.memory_space<hbm>>
    tpu.wait_dma2 semaphore(%arg12 : memref<!tpu.dma_semaphore, #tpu.memory_space<semaphore_mem>>) src(%arg6 : memref<320x128xf32, #tpu.memory_space<vmem>>) dst(%dma_wait3A_35 : memref<320x128xf32, #tpu.memory_space<hbm>>)
    %dma_start3A_36 = arith.constant 960 : i32
    %dma_start3A_37 = tpu.memref_slice %arg5[%dma_start3A_36] : memref<1280xi32, #tpu.memory_space<vmem>> -> memref<320xi32, #tpu.memory_space<vmem>>
    %dma_start3A_38 = arith.constant 0 : i32
    %dma_start3A_39 = arith.constant 0 : i32
    %dma_start3A_40 = tpu.memref_slice %arg3[%dma_start3A_38, %dma_start3A_39] : memref<20000x128xf32, #tpu.memory_space<hbm>> -> memref<20000x128xf32, #tpu.memory_space<hbm>>
    tpu.enqueue_indirect_dma source(%dma_start3A_40 : memref<20000x128xf32, #tpu.memory_space<hbm>>) target(%arg6 : memref<320x128xf32, #tpu.memory_space<vmem>>) offsets(%dma_start3A_37 : memref<320xi32, #tpu.memory_space<vmem>>) semaphore(%arg9 : memref<!tpu.dma_semaphore, #tpu.memory_space<semaphore_mem>>)
    %add3A_41 = arith.constant 320 : i32
    %add3A_42 = arith.addi %mul3A_2, %add3A_41 : i32
    %dma_start3A_43 = arith.constant 0 : i32
    %dma_start3A_44 = tpu.memref_slice %arg4[%add3A_42, %dma_start3A_43] : memref<40960x128xf32, #tpu.memory_space<hbm>> -> memref<320x128xf32, #tpu.memory_space<hbm>>
    %dma_start3A_45 = arith.constant 0 : i32
    %dma_start3A_46 = tpu.memref_slice %arg4[%add3A_42, %dma_start3A_45] : memref<40960x128xf32, #tpu.memory_space<hbm>> -> memref<320x128xf32, #tpu.memory_space<hbm>>
    tpu.enqueue_dma source(%arg7 : memref<320x128xf32, #tpu.memory_space<vmem>>) target(%dma_start3A_46 : memref<320x128xf32, #tpu.memory_space<hbm>>) target_semaphore(%arg13 : memref<!tpu.dma_semaphore, #tpu.memory_space<semaphore_mem>>)
    %dma_wait3A_47 = arith.constant 640 : i32
    %dma_wait3A_48 = tpu.memref_slice %arg5[%dma_wait3A_47] : memref<1280xi32, #tpu.memory_space<vmem>> -> memref<320xi32, #tpu.memory_space<vmem>>
    %dma_wait3A_49 = arith.constant 0 : i32
    %dma_wait3A_50 = arith.constant 0 : i32
    %dma_wait3A_51 = tpu.memref_slice %arg3[%dma_wait3A_49, %dma_wait3A_50] : memref<20000x128xf32, #tpu.memory_space<hbm>> -> memref<20000x128xf32, #tpu.memory_space<hbm>>
    tpu.wait_indirect_dma semaphore(%arg11 : memref<!tpu.dma_semaphore, #tpu.memory_space<semaphore_mem>>) src(%dma_wait3A_51 : memref<20000x128xf32, #tpu.memory_space<hbm>>) dst(%arg8 : memref<320x128xf32, #tpu.memory_space<vmem>>)
    %add3A_52 = arith.constant 640 : i32
    %add3A_53 = arith.addi %mul3A_2, %add3A_52 : i32
    %dma_start3A_54 = arith.constant 0 : i32
    %dma_start3A_55 = tpu.memref_slice %arg4[%add3A_53, %dma_start3A_54] : memref<40960x128xf32, #tpu.memory_space<hbm>> -> memref<320x128xf32, #tpu.memory_space<hbm>>
    %dma_start3A_56 = arith.constant 0 : i32
    %dma_start3A_57 = tpu.memref_slice %arg4[%add3A_53, %dma_start3A_56] : memref<40960x128xf32, #tpu.memory_space<hbm>> -> memref<320x128xf32, #tpu.memory_space<hbm>>
    tpu.enqueue_dma source(%arg8 : memref<320x128xf32, #tpu.memory_space<vmem>>) target(%dma_start3A_57 : memref<320x128xf32, #tpu.memory_space<hbm>>) target_semaphore(%arg14 : memref<!tpu.dma_semaphore, #tpu.memory_space<semaphore_mem>>)
    %dma_wait3A_58 = arith.constant 960 : i32
    %dma_wait3A_59 = tpu.memref_slice %arg5[%dma_wait3A_58] : memref<1280xi32, #tpu.memory_space<vmem>> -> memref<320xi32, #tpu.memory_space<vmem>>
    %dma_wait3A_60 = arith.constant 0 : i32
    %dma_wait3A_61 = arith.constant 0 : i32
    %dma_wait3A_62 = tpu.memref_slice %arg3[%dma_wait3A_60, %dma_wait3A_61] : memref<20000x128xf32, #tpu.memory_space<hbm>> -> memref<20000x128xf32, #tpu.memory_space<hbm>>
    tpu.wait_indirect_dma semaphore(%arg9 : memref<!tpu.dma_semaphore, #tpu.memory_space<semaphore_mem>>) src(%dma_wait3A_62 : memref<20000x128xf32, #tpu.memory_space<hbm>>) dst(%arg6 : memref<320x128xf32, #tpu.memory_space<vmem>>)
    %add3A_63 = arith.constant 960 : i32
    %add3A_64 = arith.addi %mul3A_2, %add3A_63 : i32
    %dma_start3A_65 = arith.constant 0 : i32
    %dma_start3A_66 = tpu.memref_slice %arg4[%add3A_64, %dma_start3A_65] : memref<40960x128xf32, #tpu.memory_space<hbm>> -> memref<320x128xf32, #tpu.memory_space<hbm>>
    %dma_start3A_67 = arith.constant 0 : i32
    %dma_start3A_68 = tpu.memref_slice %arg4[%add3A_64, %dma_start3A_67] : memref<40960x128xf32, #tpu.memory_space<hbm>> -> memref<320x128xf32, #tpu.memory_space<hbm>>
    tpu.enqueue_dma source(%arg6 : memref<320x128xf32, #tpu.memory_space<vmem>>) target(%dma_start3A_68 : memref<320x128xf32, #tpu.memory_space<hbm>>) target_semaphore(%arg12 : memref<!tpu.dma_semaphore, #tpu.memory_space<semaphore_mem>>)
    %dma_wait3A_69 = arith.constant 0 : i32
    %dma_wait3A_70 = tpu.memref_slice %arg4[%add3A_64, %dma_wait3A_69] : memref<40960x128xf32, #tpu.memory_space<hbm>> -> memref<320x128xf32, #tpu.memory_space<hbm>>
    %dma_wait3A_71 = arith.constant 0 : i32
    %dma_wait3A_72 = tpu.memref_slice %arg4[%add3A_64, %dma_wait3A_71] : memref<40960x128xf32, #tpu.memory_space<hbm>> -> memref<320x128xf32, #tpu.memory_space<hbm>>
    tpu.wait_dma2 semaphore(%arg12 : memref<!tpu.dma_semaphore, #tpu.memory_space<semaphore_mem>>) src(%arg6 : memref<320x128xf32, #tpu.memory_space<vmem>>) dst(%dma_wait3A_72 : memref<320x128xf32, #tpu.memory_space<hbm>>)
    %dma_wait3A_73 = arith.constant 0 : i32
    %dma_wait3A_74 = tpu.memref_slice %arg4[%add3A_42, %dma_wait3A_73] : memref<40960x128xf32, #tpu.memory_space<hbm>> -> memref<320x128xf32, #tpu.memory_space<hbm>>
    %dma_wait3A_75 = arith.constant 0 : i32
    %dma_wait3A_76 = tpu.memref_slice %arg4[%add3A_42, %dma_wait3A_75] : memref<40960x128xf32, #tpu.memory_space<hbm>> -> memref<320x128xf32, #tpu.memory_space<hbm>>
    tpu.wait_dma2 semaphore(%arg13 : memref<!tpu.dma_semaphore, #tpu.memory_space<semaphore_mem>>) src(%arg7 : memref<320x128xf32, #tpu.memory_space<vmem>>) dst(%dma_wait3A_76 : memref<320x128xf32, #tpu.memory_space<hbm>>)
    %dma_wait3A_77 = arith.constant 0 : i32
    %dma_wait3A_78 = tpu.memref_slice %arg4[%add3A_53, %dma_wait3A_77] : memref<40960x128xf32, #tpu.memory_space<hbm>> -> memref<320x128xf32, #tpu.memory_space<hbm>>
    %dma_wait3A_79 = arith.constant 0 : i32
    %dma_wait3A_80 = tpu.memref_slice %arg4[%add3A_53, %dma_wait3A_79] : memref<40960x128xf32, #tpu.memory_space<hbm>> -> memref<320x128xf32, #tpu.memory_space<hbm>>
    tpu.wait_dma2 semaphore(%arg14 : memref<!tpu.dma_semaphore, #tpu.memory_space<semaphore_mem>>) src(%arg8 : memref<320x128xf32, #tpu.memory_space<vmem>>) dst(%dma_wait3A_80 : memref<320x128xf32, #tpu.memory_space<hbm>>)
    return
  }
}

module attributes {stable_mosaic.version = 14 : i64} {
  func.func @_l1_body(%arg0: i32, %arg1: memref<2000x1280xf32, #tpu.memory_space<vmem>>, %arg2: memref<1280x64xf32, #tpu.memory_space<vmem>>, %arg3: memref<1x64xf32, #tpu.memory_space<vmem>>, %arg4: memref<2000x128xf32, #tpu.memory_space<vmem>>) attributes {dimension_semantics = [#tpu.dimension_semantics<arbitrary>], iteration_bounds = array<i64: 10>, scalar_prefetch = 0 : i64, scratch_operands = 0 : i64, tpu.core_type = #tpu.core_type<tc>, window_params = [{transform_indices = @transform_0, window_bounds = array<i64: 2000, 1280>}, {pipeline_mode = #tpu.pipeline_mode<synchronous>, transform_indices = @transform_1, window_bounds = array<i64: 1280, 64>}, {pipeline_mode = #tpu.pipeline_mode<synchronous>, transform_indices = @transform_2, window_bounds = array<i64: 1, 64>}, {transform_indices = @transform_3, window_bounds = array<i64: 2000, 128>}]} {
    %get3A = arith.constant 0 : index
    %get3A_0 = arith.constant 0 : index
    %get3A_1 = vector.load %arg1[%get3A, %get3A_0] : memref<2000x1280xf32, #tpu.memory_space<vmem>>, vector<2000x1280xf32>
    %get3A_2 = arith.constant 0 : index
    %get3A_3 = arith.constant 0 : index
    %get3A_4 = vector.load %arg2[%get3A_2, %get3A_3] : memref<1280x64xf32, #tpu.memory_space<vmem>>, vector<1280x64xf32>
    %dot_general3A = arith.constant dense<0.000000e+00> : vector<2000x64xf32>
    %dot_general3A_5 = tpu.matmul %get3A_1, %get3A_4, %dot_general3A {dimension_numbers = #tpu.dot_dimension_numbers<[1], [0], [0], [1], [0, 0, 1, 1], [], []>, transpose_lhs_hint = false} : vector<2000x1280xf32>, vector<1280x64xf32>, vector<2000x64xf32> -> vector<2000x64xf32>
    %get3A_6 = arith.constant 0 : index
    %get3A_7 = arith.constant 0 : index
    %get3A_8 = vector.load %arg3[%get3A_6, %get3A_7] : memref<1x64xf32, #tpu.memory_space<vmem>>, vector<1x64xf32>
    %add3A = vector.broadcast %get3A_8 : vector<1x64xf32> to vector<2000x64xf32>
    %add3A_9 = arith.addf %dot_general3A_5, %add3A : vector<2000x64xf32>
    %max3A = arith.constant 0.000000e+00 : f32
    %max3A_10 = vector.broadcast %max3A : f32 to vector<2000x64xf32>
    %max3A_11 = arith.maximumf %add3A_9, %max3A_10 : vector<2000x64xf32>
    %swap3A = arith.constant 0 : index
    %swap3A_12 = arith.constant 0 : index
    %swap3A_13 = vector.load %arg4[%swap3A, %swap3A_12] : memref<2000x128xf32, #tpu.memory_space<vmem>>, vector<2000x64xf32>
    tpu.vector_store %arg4[%swap3A, %swap3A_12], %max3A_11 {strides = array<i32>} : memref<2000x128xf32, #tpu.memory_space<vmem>>, vector<2000x64xf32>,
    %broadcast_in_dim3A = arith.constant 0.000000e+00 : f32
    %broadcast_in_dim3A_14 = vector.broadcast %broadcast_in_dim3A : f32 to vector<2000x64xf32>
    %swap3A_15 = arith.constant 0 : index
    %swap3A_16 = arith.constant 64 : index
    %swap3A_17 = vector.load %arg4[%swap3A_15, %swap3A_16] : memref<2000x128xf32, #tpu.memory_space<vmem>>, vector<2000x64xf32>
    tpu.vector_store %arg4[%swap3A_15, %swap3A_16], %broadcast_in_dim3A_14 {strides = array<i32>} : memref<2000x128xf32, #tpu.memory_space<vmem>>, vector<2000x64xf32>,
    return
  }
  func.func @transform_0(%arg0: i32) -> (i32, i32) {
    %c0_i32 = arith.constant 0 : i32
    %c0_i32_0 = arith.constant 0 : i32
    return %arg0, %c0_i32 : i32, i32
  }
  func.func @transform_1(%arg0: i32) -> (i32, i32) {
    %c0_i32 = arith.constant 0 : i32
    %c0_i32_0 = arith.constant 0 : i32
    %c0_i32_1 = arith.constant 0 : i32
    return %c0_i32, %c0_i32_0 : i32, i32
  }
  func.func @transform_2(%arg0: i32) -> (i32, i32) {
    %c0_i32 = arith.constant 0 : i32
    %c0_i32_0 = arith.constant 0 : i32
    %c0_i32_1 = arith.constant 0 : i32
    return %c0_i32, %c0_i32_0 : i32, i32
  }
  func.func @transform_3(%arg0: i32) -> (i32, i32) {
    %c0_i32 = arith.constant 0 : i32
    %c0_i32_0 = arith.constant 0 : i32
    return %arg0, %c0_i32 : i32, i32
  }
}

module attributes {stable_mosaic.version = 14 : i64} {
  func.func @_l2_body(%arg0: i32, %arg1: memref<1x4096x128xf32, #tpu.memory_space<vmem>>, %arg2: memref<64x128xf32, #tpu.memory_space<vmem>>, %arg3: memref<64x1xf32, #tpu.memory_space<vmem>>, %arg4: memref<1x64x4096xf32, #tpu.memory_space<vmem>>) attributes {dimension_semantics = [#tpu.dimension_semantics<arbitrary>], iteration_bounds = array<i64: 10>, scalar_prefetch = 0 : i64, scratch_operands = 0 : i64, tpu.core_type = #tpu.core_type<tc>, window_params = [{transform_indices = @transform_0, window_bounds = array<i64: 1, 4096, 128>}, {pipeline_mode = #tpu.pipeline_mode<synchronous>, transform_indices = @transform_1, window_bounds = array<i64: 64, 128>}, {pipeline_mode = #tpu.pipeline_mode<synchronous>, transform_indices = @transform_2, window_bounds = array<i64: 64, 1>}, {transform_indices = @transform_3, window_bounds = array<i64: 1, 64, 4096>}]} {
    %get3A = arith.constant 0 : index
    %get3A_0 = arith.constant 0 : index
    %get3A_1 = vector.load %arg2[%get3A, %get3A_0] : memref<64x128xf32, #tpu.memory_space<vmem>>, vector<64x128xf32>
    %get3A_2 = arith.constant 0 : index
    %get3A_3 = arith.constant 0 : index
    %get3A_4 = arith.constant 0 : index
    %get3A_5 = vector.load %arg1[%get3A_2, %get3A_3, %get3A_4] : memref<1x4096x128xf32, #tpu.memory_space<vmem>>, vector<1x4096x128xf32>
    %get3A_6 = vector.shape_cast %get3A_5 : vector<1x4096x128xf32> to vector<4096x128xf32>
    %dot_general3A = arith.constant dense<0.000000e+00> : vector<64x4096xf32>
    %dot_general3A_7 = tpu.matmul %get3A_1, %get3A_6, %dot_general3A {dimension_numbers = #tpu.dot_dimension_numbers<[1], [1], [0], [0], [0, 0, 1, 0], [], []>, transpose_lhs_hint = false} : vector<64x128xf32>, vector<4096x128xf32>, vector<64x4096xf32> -> vector<64x4096xf32>
    %get3A_8 = arith.constant 0 : index
    %get3A_9 = arith.constant 0 : index
    %get3A_10 = vector.load %arg3[%get3A_8, %get3A_9] : memref<64x1xf32, #tpu.memory_space<vmem>>, vector<64x1xf32>
    %add3A = vector.broadcast %get3A_10 : vector<64x1xf32> to vector<64x4096xf32>
    %add3A_11 = arith.addf %dot_general3A_7, %add3A : vector<64x4096xf32>
    %swap3A = arith.constant 0 : index
    %swap3A_12 = arith.constant 0 : index
    %swap3A_13 = arith.constant 0 : index
    %swap3A_14 = vector.load %arg4[%swap3A, %swap3A_12, %swap3A_13] : memref<1x64x4096xf32, #tpu.memory_space<vmem>>, vector<1x64x4096xf32>
    %swap3A_15 = vector.shape_cast %swap3A_14 : vector<1x64x4096xf32> to vector<64x4096xf32>
    %swap3A_16 = vector.shape_cast %add3A_11 : vector<64x4096xf32> to vector<1x64x4096xf32>
    tpu.vector_store %arg4[%swap3A, %swap3A_12, %swap3A_13], %swap3A_16 {strides = array<i32>} : memref<1x64x4096xf32, #tpu.memory_space<vmem>>, vector<1x64x4096xf32>,
    return
  }
  func.func @transform_0(%arg0: i32) -> (i32, i32, i32) {
    %c0_i32 = arith.constant 0 : i32
    %c0_i32_0 = arith.constant 0 : i32
    %c0_i32_1 = arith.constant 0 : i32
    return %arg0, %c0_i32, %c0_i32_0 : i32, i32, i32
  }
  func.func @transform_1(%arg0: i32) -> (i32, i32) {
    %c0_i32 = arith.constant 0 : i32
    %c0_i32_0 = arith.constant 0 : i32
    %c0_i32_1 = arith.constant 0 : i32
    return %c0_i32, %c0_i32_0 : i32, i32
  }
  func.func @transform_2(%arg0: i32) -> (i32, i32) {
    %c0_i32 = arith.constant 0 : i32
    %c0_i32_0 = arith.constant 0 : i32
    %c0_i32_1 = arith.constant 0 : i32
    return %c0_i32, %c0_i32_0 : i32, i32
  }
  func.func @transform_3(%arg0: i32) -> (i32, i32, i32) {
    %add3A = arith.constant 0 : i32
    %add3A_0 = arith.addi %arg0, %add3A : i32
    %c0_i32 = arith.constant 0 : i32
    %c0_i32_1 = arith.constant 0 : i32
    %c0_i32_2 = arith.constant 0 : i32
    return %add3A_0, %c0_i32, %c0_i32_1 : i32, i32, i32
  }
}

module attributes {stable_mosaic.version = 14 : i64} {
  func.func @_l2_body(%arg0: i32, %arg1: memref<1x4096x128xf32, #tpu.memory_space<vmem>>, %arg2: memref<64x128xf32, #tpu.memory_space<vmem>>, %arg3: memref<64x1xf32, #tpu.memory_space<vmem>>, %arg4: memref<20x64x4096xf32, #tpu.memory_space<any>>, %arg5: memref<1x64x4096xf32, #tpu.memory_space<vmem>>) attributes {dimension_semantics = [#tpu.dimension_semantics<arbitrary>], iteration_bounds = array<i64: 10>, scalar_prefetch = 0 : i64, scratch_operands = 0 : i64, tpu.core_type = #tpu.core_type<tc>, window_params = [{transform_indices = @transform_0, window_bounds = array<i64: 1, 4096, 128>}, {pipeline_mode = #tpu.pipeline_mode<synchronous>, transform_indices = @transform_1, window_bounds = array<i64: 64, 128>}, {pipeline_mode = #tpu.pipeline_mode<synchronous>, transform_indices = @transform_2, window_bounds = array<i64: 64, 1>}, {}, {transform_indices = @transform_4, window_bounds = array<i64: 1, 64, 4096>}]} {
    %get3A = arith.constant 0 : index
    %get3A_0 = arith.constant 0 : index
    %get3A_1 = vector.load %arg2[%get3A, %get3A_0] : memref<64x128xf32, #tpu.memory_space<vmem>>, vector<64x128xf32>
    %get3A_2 = arith.constant 0 : index
    %get3A_3 = arith.constant 0 : index
    %get3A_4 = arith.constant 0 : index
    %get3A_5 = vector.load %arg1[%get3A_2, %get3A_3, %get3A_4] : memref<1x4096x128xf32, #tpu.memory_space<vmem>>, vector<1x4096x128xf32>
    %get3A_6 = vector.shape_cast %get3A_5 : vector<1x4096x128xf32> to vector<4096x128xf32>
    %dot_general3A = arith.constant dense<0.000000e+00> : vector<64x4096xf32>
    %dot_general3A_7 = tpu.matmul %get3A_1, %get3A_6, %dot_general3A {dimension_numbers = #tpu.dot_dimension_numbers<[1], [1], [0], [0], [0, 0, 1, 0], [], []>, transpose_lhs_hint = false} : vector<64x128xf32>, vector<4096x128xf32>, vector<64x4096xf32> -> vector<64x4096xf32>
    %get3A_8 = arith.constant 0 : index
    %get3A_9 = arith.constant 0 : index
    %get3A_10 = vector.load %arg3[%get3A_8, %get3A_9] : memref<64x1xf32, #tpu.memory_space<vmem>>, vector<64x1xf32>
    %add3A = vector.broadcast %get3A_10 : vector<64x1xf32> to vector<64x4096xf32>
    %add3A_11 = arith.addf %dot_general3A_7, %add3A : vector<64x4096xf32>
    %swap3A = arith.constant 0 : index
    %swap3A_12 = arith.constant 0 : index
    %swap3A_13 = arith.constant 0 : index
    %swap3A_14 = vector.load %arg5[%swap3A, %swap3A_12, %swap3A_13] : memref<1x64x4096xf32, #tpu.memory_space<vmem>>, vector<1x64x4096xf32>
    %swap3A_15 = vector.shape_cast %swap3A_14 : vector<1x64x4096xf32> to vector<64x4096xf32>
    %swap3A_16 = vector.shape_cast %add3A_11 : vector<64x4096xf32> to vector<1x64x4096xf32>
    tpu.vector_store %arg5[%swap3A, %swap3A_12, %swap3A_13], %swap3A_16 {strides = array<i32>} : memref<1x64x4096xf32, #tpu.memory_space<vmem>>, vector<1x64x4096xf32>,
    return
  }
  func.func @transform_0(%arg0: i32) -> (i32, i32, i32) {
    %c0_i32 = arith.constant 0 : i32
    %c0_i32_0 = arith.constant 0 : i32
    %c0_i32_1 = arith.constant 0 : i32
    return %arg0, %c0_i32, %c0_i32_0 : i32, i32, i32
  }
  func.func @transform_1(%arg0: i32) -> (i32, i32) {
    %c0_i32 = arith.constant 0 : i32
    %c0_i32_0 = arith.constant 0 : i32
    %c0_i32_1 = arith.constant 0 : i32
    return %c0_i32, %c0_i32_0 : i32, i32
  }
  func.func @transform_2(%arg0: i32) -> (i32, i32) {
    %c0_i32 = arith.constant 0 : i32
    %c0_i32_0 = arith.constant 0 : i32
    %c0_i32_1 = arith.constant 0 : i32
    return %c0_i32, %c0_i32_0 : i32, i32
  }
  func.func @transform_4(%arg0: i32) -> (i32, i32, i32) {
    %add3A = arith.constant 10 : i32
    %add3A_0 = arith.addi %arg0, %add3A : i32
    %c0_i32 = arith.constant 0 : i32
    %c0_i32_1 = arith.constant 0 : i32
    %c0_i32_2 = arith.constant 0 : i32
    return %add3A_0, %c0_i32, %c0_i32_1 : i32, i32, i32
  }
}

</mosaic_0001>

<sc_bundles>
// kernel: kernel.10.cloned.1.call-start
scs
__scs_entry_jumppad:
0x0: {  	(pc) =	sbr.rel $0x88, $3  }
0x1: {  	(tag) =	ssettag $0x0;
	lr =	simm.s32 $0x1  }
0x2: {  	[smem:$0x3F9B] =	sst lr;
	_ =	strace $0xD0000000  }
0x3: {  	_ = 	snop  }
0x4: {  	_ = 	snop  }
0x5: {  	_ = 	snop  }
0x6: {  	_ = 	snop  }
0x7: {  	_ = 	snop  }
__scs_overlays_trampoline_lowered:
0x8: {  	[smem:$0x3FAA] =	sst s0  }
0x9: {  	[smem:$0x3FAB] =	sst s1  }
0xa: {  	[smem:$0x3FAC] =	sst s2  }
0xb: {  	[smem:$0x3FAD] =	sst s3  }
0xc: {  	[smem:$0x3FAE] =	sst s4  }
0xd: {  	[smem:$0x3FAF] =	sst s5  }
0xe: {  	[smem:$0x3FB0] =	sst s6  }
0xf: {  	[smem:$0x3FB1] =	sst s7  }
0x10: {  	[smem:$0x3FB2] =	sst s8  }
0x11: {  	[smem:$0x3FB3] =	sst s9;
	s0 =	simm.s32 @!p0 $0x0  }
0x12: {  	s1 =	sld [smem:$0x3F99];
	s0 =	simm.s32 @p0 $0x1  }
0x13: {  	[smem:$0x3FB4] =	sst s0;
	s0 =	simm.s32 @!p1 $0x0  }
0x14: {  	s2 =	sld [smem:$0x3F98];
	s0 =	simm.s32 @p1 $0x1  }
0x15: {  	[smem:$0x3FB5] =	sst s0;
	s0 =	simm.s32 @!p2 $0x0  }
0x16: {  	s3 =	sld [smem:$0x3FDB];
	s0 =	simm.s32 @p2 $0x1  }
0x17: {  	s4 =	simm.s32 $0x1BF5;
	[smem:$0x3FB7] =	sst s0  }
0x18: {  	s0 =	sld [smem:$0x3F9A];
	_ =	swait.ge [sflag:s4], $0x0  }
0x19: {  	s7 =	sld [smem:$0x3F9B]  }
0x1a: {  	s8 =	sadd.s32 $0xFFFFE003, lr  }
0x1b: {  	s9 =	sadd.s32 $0xFFFFFEF7, lr;
	s5 =	simm.s32 $0xFFFFFFFF;
	p2 =	slt.u32 s8, $0xFFFFF086  }
0x1c: {  	p1 =	slt.u32 s9, $0xF7A;
	s5 =	simm.s32 @!p2 $0x0  }
0x1d: {  	s5 =	simm.s32 @p1 $0x1;
	p0 =	seq.s32 s7, s2  }
0x1e: {  	s7 =	smul.u32 @!p0 $0xF7A, s2;
	p2 =	seq.s32 @!p0 s5, $0x0  }
0x1f: {  	s9 =	smul.u32 $0xF7A, s1;
	s8 =	simm.s32 @!p0 $0x1BF5;
	p2 =	por !p2, p0  }
0x20: {  	[sflag:s8] =	ssyncset.s32 @!p0 $0xFFFFF086;
	s6 =	sadd.s32 @!p0 s3, s7;
	s7 =	simm.s32 @!p0 $0x108  }
0x21: {  	s3 =	sadd.s32 s3, s9;
	s6 =	sadd.s32 @!p0 $0x88, s6;
	s7 =	simm.s32 @p2 $0x1082  }
0x22: {  	[simem:s7], [sflag:s8] =	dma.local @!p0 [hbm:s6], $0xF7A  }
0x23: {  	s9 =	sor.u32 $0xD0000000, s2;
	s6 =	simm.s32 $0x108;
	_ =	swait.ge @!p0 [sflag:s8], $0x0  }
0x24: {  	s3 =	sadd.s32 $0x88, s3;
	s6 =	simm.s32 @!p1 $0x1082;
	[sflag:s4] =	ssyncset.s32 $0xFFFFF086  }
0x25: {  	[simem:s6], [sflag:s4] =	dma.local [hbm:s3], $0xF7A  }
0x26: {  	[smem:$0x3F9B] =	sst s1;
	(tag) =	ssettag s2;
	_ =	strace s9  }
0x27: {  	s1 =	sld [smem:$0x3FAB]  }
0x28: {  	s2 =	sld [smem:$0x3FAC]  }
0x29: {  	s4 =	sld [smem:$0x3FAE]  }
0x2a: {  	p0 =	seq.s32 s5, $0x0;
	s5 =	sld [smem:$0x3FAF]  }
0x2b: {  	s6 =	sld [smem:$0x3FB0]  }
0x2c: {  	s7 =	sld [smem:$0x3FB1]  }
0x2d: {  	s3 =	simm.s32 $0x108;
	s8 =	sld [smem:$0x3FB2]  }
0x2e: {  	s3 =	simm.s32 @!p0 $0x1082;
	s9 =	sld [smem:$0x3FB3]  }
0x2f: {  	lr =	sadd.s32 s0, s3;
	s0 =	sld [smem:$0x3FAA]  }
0x30: {  	s3 =	sld [smem:$0x3FAD]  }
0x31: {  	[smem:$0x3FB6] =	sst s10  }
0x32: {  	s10 =	sld [smem:$0x3FB4];
	_ =	sdelay $0x3  }
0x33: {  	p0 =	seq.s32 s10, $0x1;
	s10 =	sld [smem:$0x3FB6];
	_ =	sdelay $0x3  }
0x34: {  	[smem:$0x3FB6] =	sst s10  }
0x35: {  	s10 =	sld [smem:$0x3FB5];
	_ =	sdelay $0x3  }
0x36: {  	p1 =	seq.s32 s10, $0x1;
	s10 =	sld [smem:$0x3FB6];
	_ =	sdelay $0x3  }
0x37: {  	[smem:$0x3FB6] =	sst s10  }
0x38: {  	s10 =	sld [smem:$0x3FB7]  }
0x39: {  	_ = 	snop;
	(pc) =	sbr.ind lr, $3  }
0x3a: {  	_ = 	snop  }
0x3b: {  	_ = 	snop  }
0x3c: {  	p2 =	seq.s32 s10, $0x1;
	s10 =	sld [smem:$0x3FB6]  }
0x3d: {  	_ =	shalt  }
0x3e: {  	_ =	shalt  }
0x3f: {  	_ =	shalt  }
0x40: {  	_ =	shalt  }
0x41: {  	_ =	shalt  }
0x42: {  	_ =	shalt  }
0x43: {  	_ =	shalt  }
0x44: {  	_ =	shalt  }
0x45: {  	_ =	shalt  }
0x46: {  	_ =	shalt  }
0x47: {  	_ =	shalt  }
0x48: {  	_ =	shalt  }
0x49: {  	_ =	shalt  }
0x4a: {  	_ =	shalt  }
0x4b: {  	_ =	shalt  }
0x4c: {  	_ =	shalt  }
0x4d: {  	_ =	shalt  }
0x4e: {  	_ =	shalt  }
0x4f: {  	_ =	shalt  }
0x50: {  	_ =	shalt  }
0x51: {  	_ =	shalt  }
0x52: {  	_ =	shalt  }
0x53: {  	_ =	shalt  }
0x54: {  	_ =	shalt  }
0x55: {  	_ =	shalt  }
0x56: {  	_ =	shalt  }
0x57: {  	_ =	shalt  }
0x58: {  	_ =	shalt  }
0x59: {  	_ =	shalt  }
0x5a: {  	_ =	shalt  }
0x5b: {  	_ =	shalt  }
0x5c: {  	_ =	shalt  }
0x5d: {  	_ =	shalt  }
0x5e: {  	_ =	shalt  }
0x5f: {  	_ =	shalt  }
0x60: {  	_ =	shalt  }
0x61: {  	_ =	shalt  }
0x62: {  	_ =	shalt  }
0x63: {  	_ =	shalt  }
0x64: {  	_ =	shalt  }
0x65: {  	_ =	shalt  }
0x66: {  	_ =	shalt  }
0x67: {  	_ =	shalt  }
0x68: {  	_ =	shalt  }
0x69: {  	_ =	shalt  }
0x6a: {  	_ =	shalt  }
0x6b: {  	_ =	shalt  }
0x6c: {  	_ =	shalt  }
0x6d: {  	_ =	shalt  }
0x6e: {  	_ =	shalt  }
0x6f: {  	_ =	shalt  }
0x70: {  	_ =	shalt  }
0x71: {  	_ =	shalt  }
0x72: {  	_ =	shalt  }
0x73: {  	_ =	shalt  }
0x74: {  	_ =	shalt  }
0x75: {  	_ =	shalt  }
0x76: {  	_ =	shalt  }
0x77: {  	_ =	shalt  }
0x78: {  	_ =	shalt  }
0x79: {  	_ =	shalt  }
0x7a: {  	_ =	shalt  }
0x7b: {  	_ =	shalt  }
0x7c: {  	_ =	shalt  }
0x7d: {  	_ =	shalt  }
0x7e: {  	_ =	shalt  }
0x7f: {  	_ =	shalt  }
0x80: {  	_ =	shalt  }
0x81: {  	_ =	shalt  }
0x82: {  	_ =	shalt  }
0x83: {  	_ =	shalt  }
0x84: {  	_ =	shalt  }
0x85: {  	_ =	shalt  }
0x86: {  	_ =	shalt  }
0x87: {  	_ =	shalt  }
.Lfunc_end0:
.L_simem_size_0:
called_computation.1_lowered:
.L_overlay_start_0:
0x88: {  	s2 =	sld [smem:$0x3FD9]  }
0x89: {  	s3 =	sld [smem:$0x3FFE];
	_ =	sdelay $0x1  }
0x8a: {  	s1 =	srdreg.scid  }
0x8b: {  	s0 =	sand.u32 $0x1, s1  }
0x8c: {  	s17 =	sshll.u32 s0, $0xA;
	s2 =	sadd.s32 s3, s2  }
0x8d: {  	s2 =	sadd.s32 s2, s17  }
0x8e: {  	[smem:$0x3FC2] =	sst s2  }
0x8f: {  	_ = 	snop  }
0x90: {  	(tm) =	ssettm $0x1  }
0x91: {  	s18 =	sld [smem:$0x3FFB];
	_ =	sdelay $0x3  }
0x92: {  	_ =	strace s18  }
0x93: {  	s2 =	sld [smem:$0x3FFC];
	_ =	sdelay $0x3  }
0x94: {  	_ =	strace s2  }
0x95: {  	s2 =	sld [smem:$0x3FFD];
	_ =	sdelay $0x3  }
0x96: {  	_ =	strace s2  }
0x97: {  	_ =	strace $0x8FFFFFFF  }
0x98: {  	s19 =	sld [smem:$0x3FDB];
	_ =	sdelay $0x1  }
0x99: {  	s20 =	simm.s32 $_scs_section_size  }
0x9a: {  	s4 =	simm.s32 $_size__tile_overlayer_lowered;
	s5 =	simm.s32 $_tile_overlayer_lowered  }
0x9b: {  	s6 =	simm.s32 $0x1BFF;
	s21 =	sshll.u32 s5, $0x1;
	s3 =	sadd.s32 s20, s19  }
0x9c: {  	s22 =	simm.s32 $0x0;
	s4 =	sshll.u32 s4, $0x1;
	s5 =	sadd.s32 s21, s3  }
0x9d: {  	[timem:s22], [sflag:s6] =	dma.local [hbm:s5], s4  }
0x9e: {  	_ =	swait.ge [sflag:s6], s4  }
0x9f: {  	s4 =	ssub.s32 $0x0, s4;
	[sflag:s6] =	ssyncset.done $0x0  }
0xa0: {  	[sflag:s6] =	ssyncadd.s32 s4;
	_ =	sdelay $0x1  }
0xa1: {  	s23 =	simm.s32 $0x1B8B  }
0xa2: {  	_ =	swait.ge [sflag:s23], $0x1  }
0xa3: {  	[sflag:s23] =	ssyncset.done $0x0  }
0xa4: {  	[sflag:s23] =	ssyncadd.s32 $0xFFFFFFFF  }
0xa5: {  	s4 =	sld [smem:$0x0]  }
0xa6: {  	s5 =	sand.u32 $0xFFFFFFFE, s1  }
0xa7: {  	p0 =	sne.s32 s1, s5  }
0xa8: {  	s5 =	sshll.u32 @p0 s5, $0xE  }
0xa9: {  	s5 =	sadd.s32 @p0 $0x11B8D, s5;
	s6 =	sshll.u32 @p0 s4, $0x11  }
0xaa: {  	s5 =	sor.u32 @p0 s6, s5  }
0xab: {  	[sflag:s5] =	ssyncadd.remote.s32 @p0 $0x1;
	_ =	sdelay $0x1  }
0xac: {  	s5 =	simm.s32 @p0 $0x1B8D  }
0xad: {  	_ =	swait.eq @p0 [sflag:s5], $0x1  }
0xae: {  	[sflag:s5] =	ssyncadd.s32 @p0 $0xFFFFFFFF  }
0xaf: {  	s6 =	sshll.u32 @!p0 s1, $0xE  }
0xb0: {  	s6 =	sor.u32 @!p0 $0x4000, s6;
	s5 =	simm.s32 @!p0 $0x1B8D  }
0xb1: {  	s4 =	sshll.u32 @!p0 s4, $0x11;
	s6 =	sadd.s32 @!p0 $0x11B8D, s6;
	_ =	swait.eq @!p0 [sflag:s5], $0x1  }
0xb2: {  	s4 =	sor.u32 @!p0 s4, s6;
	[sflag:s5] =	ssyncadd.s32 @!p0 $0xFFFFFFFF  }
0xb3: {  	s25 =	simm.s32 $0x1B8E;
	s24 =	sld [smem:$0x3FFE];
	[sflag:s4] =	ssyncadd.remote.s32 @!p0 $0x1  }
0xb4: {  	s26 =	simm.s32 $execute0_lowered;
	[smem:$0x3FD2] =	sst s25  }
0xb5: {  	s5 =	sshll.u32 s26, $0x1;
	_ =	strace $0x80000049;
	[dreg:$0x1] =	wrdreg $0xFFFFFFFF  }
0xb6: {  	s28 =	simm.s32 $_size_execute0_lowered;
	s3 =	sadd.s32 s3, s5;
	[dreg:$0x0] =	wrdreg $0x0  }
0xb7: {  	s5 =	sshll.u32 s28, $0x1;
	[dreg:$0x2] =	wrdreg s3  }
0xb8: {  	[dreg:$0x3] =	wrdreg s5  }
0xb9: {  	[dreg:$0x4] =	wrdreg $0xC0  }
0xba: {  	_ =	task [dreg:s22], $0x5FFFF  }
0xbb: {  	[dreg:$0x1] =	wrdreg $0xFFFFFFFF  }
0xbc: {  	[dreg:$0x0] =	wrdreg $0x60  }
0xbd: {  	[dreg:$0x2] =	wrdreg s24  }
0xbe: {  	[dreg:$0x3] =	wrdreg $0xA  }
0xbf: {  	_ =	task.clear_ibuf [dreg:s22], $0x4FFFF;
	_ =	strace $0x90000049  }
0xc0: {  	s29 =	simm.s32 $0xA;
	_ =	strace $0x8000004B  }
0xc1: {  	_ =	swait.ge [sflag:s29], $0x1  }
0xc2: {  	[sflag:s29] =	ssyncadd.s32 $0xFFFFFFFF  }
0xc3: {  	_ =	strace $0x9000004B  }
0xc4: {  	_ =	sfence  }
0xc5: {  	s30 =	sld [smem:$0x0];
	_ =	sdelay $0x2  }
0xc6: {  	s31 =	sshll.u32 s1, $0xD;
	s1 =	sshrl.u32 s1, $0x2  }
0xc7: {  	s4 =	sand.u32 $0x4000, s31;
	s1 =	sadd.s32 s1, s30  }
0xc8: {  	s0 =	sor.u32 s4, s0;
	s1 =	sshll.u32 s1, $0x11  }
0xc9: {  	s0 =	sor.u32 s1, s0  }
0xca: {  	s0 =	sadd.s32 $0x8F2B, s0  }
0xcb: {  	[sflag:s0] =	ssyncadd.remote.s32 $0x1  }
0xcc: {  	_ =	sfence.sel $0xFFFF  }
0xcd: {  	[dreg:$0x0] =	wrdreg $0xFFFFFFFF;
	(pc) =	sbr.abs _section_cstart, $3  }
0xce: {  	[dreg:$0x1] =	wrdreg $0xFFFFFFFF  }
0xcf: {  	_ =	task.clear_ibuf [dreg:s22], $0x2FFFF;
	_ =	strace $0x9FFFFFFF  }
0xd0: {  	(tm) =	ssettm $0x7FFFFFFF  }
0xd1: {  	_ =	shalt  }
tec
execute0_lowered:
.L_overlay_start_1:
0x0: {  	(tag) =	ssettag $0x1  }
0x1: {  	s1 =	srdreg.scid;
	s0 =	stileid.u32  }
0x2: {  	s20 =	sand.u32 $0x1, s1;
	s31 =	sshll.u32 s0, $0x1  }
0x3: {  	s14 =	sor.u32 s20, s31  }
0x4: {  	s3 =	smul.u32 $0xA0, s14  }
0x5: {  	s10 =	rddreg [dreg:$0x0];
	s2 =	simm.s32 $0x0  }
0x6: {  	s4 =	simm.s32 $0x7;
	[smem:$0x7FF] =	sst s2;
	s3 =	sadd.s32 s3, s10  }
0x7: {  	s1 =	rddreg [dreg:$0x1];
	_ =	strace $0x8000004A;
	s3 =	sadd.s32 $0x50C00, s3  }
0x8: {  	[tilespmem:s2], [sflag:$0x7] =	stream.linear.gather [hbm4b:s3+s2], $0x500, $0x38;
	[tilespmem:$0x1E500] =	vst v63  }
0x9: {  	_ =	swait.ge [sflag:s4], $0x500  }
0xa: {  	s6 =	simm.s32 $0x140;
	[sflag:s4] =	ssyncset.done $0x0  }
0xb: {  	s7 =	simm.s32 $0x500;
	s5 =	sadd.s32 $0x2A00, s10;
	[sflag:s4] =	ssyncadd.s32 $0xFFFFFB00  }
0xc: {  	[tilespmem:s7], [sflag:$0x1] =	stream.indirect.gather [hbm4b:s5+s6], $0x80, s2, s6, $0xb8;
	[tilespmem:$0x1E500] =	vst v63  }
0xd: {  	s8 =	simm.s32 $0xA500;
	s9 =	simm.s32 $0x1  }
0xe: {  	[tilespmem:s8], [sflag:$0x2] =	stream.indirect.gather [hbm4b:s5+s6], $0x80, s6, s6, $0xb8;
	[tilespmem:$0x1E500] =	vst v63  }
0xf: {  	_ =	swait.ge [sflag:s9], $0xA000  }
0x10: {  	s11 =	simm.s32 $0x14500;
	s15 =	sadd.s32 $0x52000, s10;
	[sflag:s9] =	ssyncset.done $0x0  }
0x11: {  	s12 =	smul.u32 $0x5000, s14;
	s10 =	simm.s32 $0x280;
	[sflag:s9] =	ssyncadd.s32 $0xFFFF6000  }
0x12: {  	[tilespmem:s11], [sflag:$0x3] =	stream.indirect.gather [hbm4b:s5+s6], $0x80, s10, s6, $0xb8;
	[tilespmem:$0x1E500] =	vst v63  }
0x13: {  	s13 =	simm.s32 $0x2;
	s12 =	sadd.s32 s15, s12  }
0x14: {  	[hbm4b:s12+s2] =	stream.linear.scatter [tilespmem:s7], [sflag:$0x4], $0xA000, $0x38;
	[tilespmem:$0x1E500] =	vst v63  }
0x15: {  	_ =	swait.ge [sflag:s13], $0xA000  }
0x16: {  	[sflag:s13] =	ssyncset.done $0x0  }
0x17: {  	s16 =	smul.u32 $0x28000, s14;
	s14 =	simm.s32 $0x4;
	[sflag:s13] =	ssyncadd.s32 $0xFFFF6000  }
0x18: {  	_ =	swait.ge [sflag:s14], $0xA000  }
0x19: {  	s16 =	sshrl.u32 s16, $0x3;
	[sflag:s14] =	ssyncset.done $0x0  }
0x1a: {  	s19 =	sadd.s32 s15, s16;
	s15 =	simm.s32 $0x3C0;
	[sflag:s14] =	ssyncadd.s32 $0xFFFF6000  }
0x1b: {  	[tilespmem:s7], [sflag:$0x1] =	stream.indirect.gather [hbm4b:s5+s6], $0x80, s15, s6, $0xb8;
	[tilespmem:$0x1E500] =	vst v63  }
0x1c: {  	s17 =	simm.s32 $0x3;
	s16 =	sadd.s32 $0x1400, s19  }
0x1d: {  	[hbm4b:s16+s2] =	stream.linear.scatter [tilespmem:s8], [sflag:$0x5], $0xA000, $0x38;
	[tilespmem:$0x1E500] =	vst v63  }
0x1e: {  	_ =	swait.ge [sflag:s17], $0xA000  }
0x1f: {  	[sflag:s17] =	ssyncset.done $0x0  }
0x20: {  	s18 =	sadd.s32 $0x2800, s19;
	[sflag:s17] =	ssyncadd.s32 $0xFFFF6000  }
0x21: {  	[hbm4b:s18+s2] =	stream.linear.scatter [tilespmem:s11], [sflag:$0x6], $0xA000, $0x38;
	[tilespmem:$0x1E500] =	vst v63  }
0x22: {  	_ =	swait.ge [sflag:s9], $0xA000  }
0x23: {  	s21 =	ssub.s32 $0x2, s20;
	[sflag:s9] =	ssyncset.done $0x0  }
0x24: {  	s22 =	sshrl.u32 s21, $0x1;
	s19 =	sadd.s32 $0x3C00, s19;
	[sflag:s9] =	ssyncadd.s32 $0xFFFF6000  }
0x25: {  	[hbm4b:s19+s2] =	stream.linear.scatter [tilespmem:s7], [sflag:$0x4], $0xA000, $0x38;
	[tilespmem:$0x1E500] =	vst v63  }
0x26: {  	s21 =	ssub.s32 s21, s22;
	_ =	swait.ge [sflag:s14], $0xA000  }
0x27: {  	s22 =	smax.u32 s21, $0x1;
	[sflag:s14] =	ssyncset.done $0x0  }
0x28: {  	s20 =	simm.s32 $0x5;
	p0 =	sne.s32 s22, $0x1;
	[sflag:s14] =	ssyncadd.s32 $0xFFFF6000  }
.Ltmp0:
0x29: {  	_ =	swait.ge [sflag:s20], $0xA000;
	(pc) =	sbr.rel @!p0 .LBB2_2-.Ltmp0, $4  }
0x2a: {  	[sflag:s20] =	ssyncset.done $0x0  }
0x2b: {  	s21 =	simm.s32 $0x6;
	[sflag:s20] =	ssyncadd.s32 $0xFFFF6000  }
0x2c: {  	_ =	swait.ge [sflag:s21], $0xA000  }
0x2d: {  	s22 =	sadd.s32 $0xFFFFFFFF, s22;
	[sflag:s21] =	ssyncset.done $0x0  }
.LBB2_1:
0x2e: {  	p0 =	sne.s32 s22, $0x1;
	s22 =	sadd.s32 $0xFFFFFFFF, s22;
	[sflag:s21] =	ssyncadd.s32 $0xFFFF6000  }
0x2f: {  	[tilespmem:s2], [sflag:$0x7] =	stream.linear.gather [hbm4b:s3+s2], $0x500, $0x38;
	[tilespmem:$0x1E500] =	vst v63  }
0x30: {  	_ =	swait.ge [sflag:s4], $0x500  }
0x31: {  	[sflag:s4] =	ssyncset.done $0x0  }
0x32: {  	[sflag:s4] =	ssyncadd.s32 $0xFFFFFB00  }
0x33: {  	[tilespmem:s7], [sflag:$0x1] =	stream.indirect.gather [hbm4b:s5+s6], $0x80, s2, s6, $0xb8;
	[tilespmem:$0x1E500] =	vst v63  }
0x34: {  	_ = 	snop  }
0x35: {  	[tilespmem:s8], [sflag:$0x2] =	stream.indirect.gather [hbm4b:s5+s6], $0x80, s6, s6, $0xb8;
	[tilespmem:$0x1E500] =	vst v63  }
0x36: {  	_ =	swait.ge [sflag:s9], $0xA000  }
0x37: {  	[sflag:s9] =	ssyncset.done $0x0  }
0x38: {  	[sflag:s9] =	ssyncadd.s32 $0xFFFF6000  }
0x39: {  	[tilespmem:s11], [sflag:$0x3] =	stream.indirect.gather [hbm4b:s5+s6], $0x80, s10, s6, $0xb8;
	[tilespmem:$0x1E500] =	vst v63  }
0x3a: {  	_ = 	snop  }
0x3b: {  	[hbm4b:s12+s2] =	stream.linear.scatter [tilespmem:s7], [sflag:$0x4], $0xA000, $0x38;
	[tilespmem:$0x1E500] =	vst v63  }
0x3c: {  	_ =	swait.ge [sflag:s13], $0xA000  }
0x3d: {  	[sflag:s13] =	ssyncset.done $0x0  }
0x3e: {  	[sflag:s13] =	ssyncadd.s32 $0xFFFF6000  }
0x3f: {  	_ =	swait.ge [sflag:s14], $0xA000  }
0x40: {  	[sflag:s14] =	ssyncset.done $0x0  }
0x41: {  	[sflag:s14] =	ssyncadd.s32 $0xFFFF6000  }
0x42: {  	[tilespmem:s7], [sflag:$0x1] =	stream.indirect.gather [hbm4b:s5+s6], $0x80, s15, s6, $0xb8;
	[tilespmem:$0x1E500] =	vst v63  }
0x43: {  	_ = 	snop  }
0x44: {  	[hbm4b:s16+s2] =	stream.linear.scatter [tilespmem:s8], [sflag:$0x5], $0xA000, $0x38;
	[tilespmem:$0x1E500] =	vst v63  }
0x45: {  	_ =	swait.ge [sflag:s17], $0xA000  }
0x46: {  	[sflag:s17] =	ssyncset.done $0x0  }
0x47: {  	[sflag:s17] =	ssyncadd.s32 $0xFFFF6000  }
0x48: {  	[hbm4b:s18+s2] =	stream.linear.scatter [tilespmem:s11], [sflag:$0x6], $0xA000, $0x38;
	[tilespmem:$0x1E500] =	vst v63  }
0x49: {  	_ =	swait.ge [sflag:s9], $0xA000  }
0x4a: {  	[sflag:s9] =	ssyncset.done $0x0  }
0x4b: {  	[sflag:s9] =	ssyncadd.s32 $0xFFFF6000  }
0x4c: {  	[hbm4b:s19+s2] =	stream.linear.scatter [tilespmem:s7], [sflag:$0x4], $0xA000, $0x38;
	[tilespmem:$0x1E500] =	vst v63  }
0x4d: {  	_ =	swait.ge [sflag:s14], $0xA000  }
0x4e: {  	[sflag:s14] =	ssyncset.done $0x0  }
0x4f: {  	[sflag:s14] =	ssyncadd.s32 $0xFFFF6000  }
.Ltmp1:
0x50: {  	_ =	swait.ge [sflag:s20], $0xA000;
	(pc) =	sbr.rel @p0 .LBB2_1-.Ltmp1, $4  }
0x51: {  	[sflag:s20] =	ssyncset.done $0x0  }
0x52: {  	[sflag:s20] =	ssyncadd.s32 $0xFFFF6000  }
0x53: {  	_ =	swait.ge [sflag:s21], $0xA000  }
0x54: {  	[sflag:s21] =	ssyncset.done $0x0  }
.LBB2_2:
0x55: {  	[sflag:s21] =	ssyncadd.s32 $0xFFFF6000  }
0x56: {  	_ =	sfence.sel $0x180000  }
0x57: {  	[bflag:$0x0] =	sbarrier.arrive $0xFFFF  }
0x58: {  	p0 =	sne.s32 s0, $0x0;
	_ =	strace $0x9000004A  }
0x59: {  	s0 =	sadd.s32 @!p0 $0x100000, s1;
	[bflag:$0x2] =	sbarrier.arrive $0xFFFF  }
0x5a: {  	[sflag:s0] =	ssyncadd.tile.s32 @!p0 $0x1;
	_ =	shalt  }
.Lfunc_end2:
_tile_overlayer_lowered:
.L_overlay_start_2:
0x5b: {  	(tag) =	ssettag $0x2  }
0x5c: {  	s0 =	rddreg [dreg:$0x0];
	s2 =	stileid.u32  }
0x5d: {  	s1 =	rddreg [dreg:$0x1];
	p0 =	sne.s32 s2, $0x0  }
0x5e: {  	s3 =	rddreg [dreg:$0x2];
	[bflag:$0x3] =	sbarrier.arrive $0xFFFF;
	s2 =	simm.s32 @!p0 $0x1C07  }
0x5f: {  	[timem:s3], [sflag:s2] =	dma.local @!p0 [hbm:s0], s1  }
0x60: {  	s0 =	simm.s32 @!p0 $0x7  }
0x61: {  	_ =	swait.ge @!p0 [sflag:s0], s1  }
0x62: {  	s1 =	ssub.s32 @!p0 $0x0, s1;
	[sflag:s0] =	ssyncset.done @!p0 $0x0  }
0x63: {  	[sflag:s0] =	ssyncadd.s32 @!p0 s1  }
0x64: {  	[bflag:$0x3] =	sbarrier.arrive $0xFFFF  }
0x65: {  	_ =	shalt  }

// kernel: kernel.7.cloned.1.call-start
scs
__scs_entry_jumppad:
0x0: {  	(pc) =	sbr.rel $0x88, $3  }
0x1: {  	(tag) =	ssettag $0x0;
	lr =	simm.s32 $0x1  }
0x2: {  	[smem:$0x3F9B] =	sst lr;
	_ =	strace $0xD0000000  }
0x3: {  	_ = 	snop  }
0x4: {  	_ = 	snop  }
0x5: {  	_ = 	snop  }
0x6: {  	_ = 	snop  }
0x7: {  	_ = 	snop  }
__scs_overlays_trampoline_lowered:
0x8: {  	[smem:$0x3FAA] =	sst s0  }
0x9: {  	[smem:$0x3FAB] =	sst s1  }
0xa: {  	[smem:$0x3FAC] =	sst s2  }
0xb: {  	[smem:$0x3FAD] =	sst s3  }
0xc: {  	[smem:$0x3FAE] =	sst s4  }
0xd: {  	[smem:$0x3FAF] =	sst s5  }
0xe: {  	[smem:$0x3FB0] =	sst s6  }
0xf: {  	[smem:$0x3FB1] =	sst s7  }
0x10: {  	[smem:$0x3FB2] =	sst s8  }
0x11: {  	[smem:$0x3FB3] =	sst s9;
	s0 =	simm.s32 @!p0 $0x0  }
0x12: {  	s1 =	sld [smem:$0x3F99];
	s0 =	simm.s32 @p0 $0x1  }
0x13: {  	[smem:$0x3FB4] =	sst s0;
	s0 =	simm.s32 @!p1 $0x0  }
0x14: {  	s2 =	sld [smem:$0x3F98];
	s0 =	simm.s32 @p1 $0x1  }
0x15: {  	[smem:$0x3FB5] =	sst s0;
	s0 =	simm.s32 @!p2 $0x0  }
0x16: {  	s3 =	sld [smem:$0x3FDB];
	s0 =	simm.s32 @p2 $0x1  }
0x17: {  	s4 =	simm.s32 $0x1BF5;
	[smem:$0x3FB7] =	sst s0  }
0x18: {  	s0 =	sld [smem:$0x3F9A];
	_ =	swait.ge [sflag:s4], $0x0  }
0x19: {  	s7 =	sld [smem:$0x3F9B]  }
0x1a: {  	s8 =	sadd.s32 $0xFFFFE003, lr  }
0x1b: {  	s9 =	sadd.s32 $0xFFFFFEF7, lr;
	s5 =	simm.s32 $0xFFFFFFFF;
	p2 =	slt.u32 s8, $0xFFFFF086  }
0x1c: {  	p1 =	slt.u32 s9, $0xF7A;
	s5 =	simm.s32 @!p2 $0x0  }
0x1d: {  	s5 =	simm.s32 @p1 $0x1;
	p0 =	seq.s32 s7, s2  }
0x1e: {  	s7 =	smul.u32 @!p0 $0xF7A, s2;
	p2 =	seq.s32 @!p0 s5, $0x0  }
0x1f: {  	s9 =	smul.u32 $0xF7A, s1;
	s8 =	simm.s32 @!p0 $0x1BF5;
	p2 =	por !p2, p0  }
0x20: {  	[sflag:s8] =	ssyncset.s32 @!p0 $0xFFFFF086;
	s6 =	sadd.s32 @!p0 s3, s7;
	s7 =	simm.s32 @!p0 $0x108  }
0x21: {  	s3 =	sadd.s32 s3, s9;
	s6 =	sadd.s32 @!p0 $0x88, s6;
	s7 =	simm.s32 @p2 $0x1082  }
0x22: {  	[simem:s7], [sflag:s8] =	dma.local @!p0 [hbm:s6], $0xF7A  }
0x23: {  	s9 =	sor.u32 $0xD0000000, s2;
	s6 =	simm.s32 $0x108;
	_ =	swait.ge @!p0 [sflag:s8], $0x0  }
0x24: {  	s3 =	sadd.s32 $0x88, s3;
	s6 =	simm.s32 @!p1 $0x1082;
	[sflag:s4] =	ssyncset.s32 $0xFFFFF086  }
0x25: {  	[simem:s6], [sflag:s4] =	dma.local [hbm:s3], $0xF7A  }
0x26: {  	[smem:$0x3F9B] =	sst s1;
	(tag) =	ssettag s2;
	_ =	strace s9  }
0x27: {  	s1 =	sld [smem:$0x3FAB]  }
0x28: {  	s2 =	sld [smem:$0x3FAC]  }
0x29: {  	s4 =	sld [smem:$0x3FAE]  }
0x2a: {  	p0 =	seq.s32 s5, $0x0;
	s5 =	sld [smem:$0x3FAF]  }
0x2b: {  	s6 =	sld [smem:$0x3FB0]  }
0x2c: {  	s7 =	sld [smem:$0x3FB1]  }
0x2d: {  	s3 =	simm.s32 $0x108;
	s8 =	sld [smem:$0x3FB2]  }
0x2e: {  	s3 =	simm.s32 @!p0 $0x1082;
	s9 =	sld [smem:$0x3FB3]  }
0x2f: {  	lr =	sadd.s32 s0, s3;
	s0 =	sld [smem:$0x3FAA]  }
0x30: {  	s3 =	sld [smem:$0x3FAD]  }
0x31: {  	[smem:$0x3FB6] =	sst s10  }
0x32: {  	s10 =	sld [smem:$0x3FB4];
	_ =	sdelay $0x3  }
0x33: {  	p0 =	seq.s32 s10, $0x1;
	s10 =	sld [smem:$0x3FB6];
	_ =	sdelay $0x3  }
0x34: {  	[smem:$0x3FB6] =	sst s10  }
0x35: {  	s10 =	sld [smem:$0x3FB5];
	_ =	sdelay $0x3  }
0x36: {  	p1 =	seq.s32 s10, $0x1;
	s10 =	sld [smem:$0x3FB6];
	_ =	sdelay $0x3  }
0x37: {  	[smem:$0x3FB6] =	sst s10  }
0x38: {  	s10 =	sld [smem:$0x3FB7]  }
0x39: {  	_ = 	snop;
	(pc) =	sbr.ind lr, $3  }
0x3a: {  	_ = 	snop  }
0x3b: {  	_ = 	snop  }
0x3c: {  	p2 =	seq.s32 s10, $0x1;
	s10 =	sld [smem:$0x3FB6]  }
0x3d: {  	_ =	shalt  }
0x3e: {  	_ =	shalt  }
0x3f: {  	_ =	shalt  }
0x40: {  	_ =	shalt  }
0x41: {  	_ =	shalt  }
0x42: {  	_ =	shalt  }
0x43: {  	_ =	shalt  }
0x44: {  	_ =	shalt  }
0x45: {  	_ =	shalt  }
0x46: {  	_ =	shalt  }
0x47: {  	_ =	shalt  }
0x48: {  	_ =	shalt  }
0x49: {  	_ =	shalt  }
0x4a: {  	_ =	shalt  }
0x4b: {  	_ =	shalt  }
0x4c: {  	_ =	shalt  }
0x4d: {  	_ =	shalt  }
0x4e: {  	_ =	shalt  }
0x4f: {  	_ =	shalt  }
0x50: {  	_ =	shalt  }
0x51: {  	_ =	shalt  }
0x52: {  	_ =	shalt  }
0x53: {  	_ =	shalt  }
0x54: {  	_ =	shalt  }
0x55: {  	_ =	shalt  }
0x56: {  	_ =	shalt  }
0x57: {  	_ =	shalt  }
0x58: {  	_ =	shalt  }
0x59: {  	_ =	shalt  }
0x5a: {  	_ =	shalt  }
0x5b: {  	_ =	shalt  }
0x5c: {  	_ =	shalt  }
0x5d: {  	_ =	shalt  }
0x5e: {  	_ =	shalt  }
0x5f: {  	_ =	shalt  }
0x60: {  	_ =	shalt  }
0x61: {  	_ =	shalt  }
0x62: {  	_ =	shalt  }
0x63: {  	_ =	shalt  }
0x64: {  	_ =	shalt  }
0x65: {  	_ =	shalt  }
0x66: {  	_ =	shalt  }
0x67: {  	_ =	shalt  }
0x68: {  	_ =	shalt  }
0x69: {  	_ =	shalt  }
0x6a: {  	_ =	shalt  }
0x6b: {  	_ =	shalt  }
0x6c: {  	_ =	shalt  }
0x6d: {  	_ =	shalt  }
0x6e: {  	_ =	shalt  }
0x6f: {  	_ =	shalt  }
0x70: {  	_ =	shalt  }
0x71: {  	_ =	shalt  }
0x72: {  	_ =	shalt  }
0x73: {  	_ =	shalt  }
0x74: {  	_ =	shalt  }
0x75: {  	_ =	shalt  }
0x76: {  	_ =	shalt  }
0x77: {  	_ =	shalt  }
0x78: {  	_ =	shalt  }
0x79: {  	_ =	shalt  }
0x7a: {  	_ =	shalt  }
0x7b: {  	_ =	shalt  }
0x7c: {  	_ =	shalt  }
0x7d: {  	_ =	shalt  }
0x7e: {  	_ =	shalt  }
0x7f: {  	_ =	shalt  }
0x80: {  	_ =	shalt  }
0x81: {  	_ =	shalt  }
0x82: {  	_ =	shalt  }
0x83: {  	_ =	shalt  }
0x84: {  	_ =	shalt  }
0x85: {  	_ =	shalt  }
0x86: {  	_ =	shalt  }
0x87: {  	_ =	shalt  }
.Lfunc_end0:
.L_simem_size_0:
called_computation_lowered:
.L_overlay_start_0:
0x88: {  	s2 =	sld [smem:$0x3FD9]  }
0x89: {  	s3 =	sld [smem:$0x3FFE];
	_ =	sdelay $0x1  }
0x8a: {  	s1 =	srdreg.scid  }
0x8b: {  	s0 =	sand.u32 $0x1, s1  }
0x8c: {  	s17 =	sshll.u32 s0, $0xA;
	s2 =	sadd.s32 s3, s2  }
0x8d: {  	s2 =	sadd.s32 s2, s17  }
0x8e: {  	[smem:$0x3FC2] =	sst s2  }
0x8f: {  	_ = 	snop  }
0x90: {  	s2 =	sld [smem:$0x3FD0];
	(tm) =	ssettm $0x1  }
0x91: {  	s18 =	sld [smem:$0x3FFB];
	_ =	sdelay $0x3  }
0x92: {  	_ =	strace s18  }
0x93: {  	s3 =	sld [smem:$0x3FFC];
	_ =	sdelay $0x3  }
0x94: {  	_ =	strace s3  }
0x95: {  	s3 =	sld [smem:$0x3FFD];
	_ =	sdelay $0x3  }
0x96: {  	_ =	strace s3  }
0x97: {  	_ =	strace $0x8FFFFFFF  }
0x98: {  	s19 =	sld [smem:$0x3FDB];
	_ =	sdelay $0x1  }
0x99: {  	s4 =	simm.s32 $_scs_section_size  }
0x9a: {  	s5 =	simm.s32 $_size__tile_overlayer_lowered;
	s6 =	simm.s32 $_tile_overlayer_lowered  }
0x9b: {  	s22 =	simm.s32 $0x1BFF;
	s21 =	sshll.u32 s6, $0x1;
	s3 =	sadd.s32 s4, s19  }
0x9c: {  	s7 =	simm.s32 $0x0;
	s20 =	sshll.u32 s5, $0x1;
	s5 =	sadd.s32 s21, s3  }
0x9d: {  	[timem:s7], [sflag:s22] =	dma.local [hbm:s5], s20  }
0x9e: {  	_ =	swait.ge [sflag:s22], s20  }
0x9f: {  	s4 =	ssub.s32 $0x0, s20;
	[sflag:s22] =	ssyncset.done $0x0  }
0xa0: {  	[sflag:s22] =	ssyncadd.s32 s4;
	_ =	sdelay $0x1  }
0xa1: {  	s23 =	simm.s32 $0x1B8B  }
0xa2: {  	_ =	swait.ge [sflag:s23], $0x1  }
0xa3: {  	[sflag:s23] =	ssyncset.done $0x0  }
0xa4: {  	s25 =	simm.s32 $0x1B8E;
	s24 =	sld [smem:$0x3FFE];
	[sflag:s23] =	ssyncadd.s32 $0xFFFFFFFF  }
0xa5: {  	s26 =	simm.s32 $execute0_lowered;
	[smem:$0x3FD2] =	sst s25  }
0xa6: {  	s5 =	sshll.u32 s26, $0x1;
	_ =	strace $0x80000046;
	[dreg:$0x1] =	wrdreg $0xFFFFFFFF  }
0xa7: {  	s28 =	simm.s32 $_size_execute0_lowered;
	s3 =	sadd.s32 s3, s5;
	[dreg:$0x0] =	wrdreg $0x0  }
0xa8: {  	s5 =	sshll.u32 s28, $0x1;
	[dreg:$0x2] =	wrdreg s3  }
0xa9: {  	[dreg:$0x3] =	wrdreg s5  }
0xaa: {  	[dreg:$0x4] =	wrdreg $0xC0  }
0xab: {  	_ =	task [dreg:s7], $0x5FFFF  }
0xac: {  	[dreg:$0x1] =	wrdreg $0xFFFFFFFF  }
0xad: {  	[dreg:$0x0] =	wrdreg $0x60  }
0xae: {  	[dreg:$0x2] =	wrdreg s24  }
0xaf: {  	[dreg:$0x3] =	wrdreg s2  }
0xb0: {  	[dreg:$0x4] =	wrdreg $0x9  }
0xb1: {  	_ =	task.clear_ibuf [dreg:s7], $0x5FFFF;
	_ =	strace $0x90000046  }
0xb2: {  	s29 =	simm.s32 $0x9;
	_ =	strace $0x80000048  }
0xb3: {  	_ =	swait.ge [sflag:s29], $0x1  }
0xb4: {  	[sflag:s29] =	ssyncadd.s32 $0xFFFFFFFF  }
0xb5: {  	_ =	strace $0x90000048  }
0xb6: {  	_ =	sfence  }
0xb7: {  	s30 =	sld [smem:$0x0];
	_ =	sdelay $0x2  }
0xb8: {  	s31 =	sshll.u32 s1, $0xD;
	s1 =	sshrl.u32 s1, $0x2  }
0xb9: {  	s3 =	sand.u32 $0x4000, s31;
	s1 =	sadd.s32 s1, s30  }
0xba: {  	s0 =	sor.u32 s3, s0;
	s1 =	sshll.u32 s1, $0x11  }
0xbb: {  	s0 =	sor.u32 s1, s0  }
0xbc: {  	s0 =	sadd.s32 $0x8F2B, s0  }
0xbd: {  	[sflag:s0] =	ssyncadd.remote.s32 $0x1  }
0xbe: {  	_ =	sfence.sel $0xFFFF  }
0xbf: {  	[dreg:$0x0] =	wrdreg $0xFFFFFFFF;
	(pc) =	sbr.abs _section_cstart, $3  }
0xc0: {  	[dreg:$0x1] =	wrdreg $0xFFFFFFFF  }
0xc1: {  	_ =	task.clear_ibuf [dreg:s7], $0x2FFFF;
	_ =	strace $0x9FFFFFFF  }
0xc2: {  	(tm) =	ssettm $0x7FFFFFFF  }
0xc3: {  	_ =	shalt  }
tec
execute0_lowered:
.L_overlay_start_1:
0x0: {  	(tag) =	ssettag $0x1  }
0x1: {  	s1 =	srdreg.scid;
	s0 =	stileid.u32  }
0x2: {  	s20 =	sand.u32 $0x1, s1;
	s31 =	sshll.u32 s0, $0x1  }
0x3: {  	s14 =	sor.u32 s20, s31  }
0x4: {  	s5 =	rddreg [dreg:$0x0];
	s3 =	smul.u32 $0xA0, s14  }
0x5: {  	s15 =	rddreg [dreg:$0x1];
	s2 =	simm.s32 $0x0  }
0x6: {  	s4 =	simm.s32 $0x7;
	[smem:$0x7FF] =	sst s2;
	s3 =	sadd.s32 s3, s5  }
0x7: {  	s1 =	rddreg [dreg:$0x2];
	_ =	strace $0x80000047;
	s3 =	sadd.s32 $0x1600, s3  }
0x8: {  	[tilespmem:s2], [sflag:$0x7] =	stream.linear.gather [hbm4b:s3+s2], $0x500, $0x38;
	[tilespmem:$0x1E500] =	vst v63  }
0x9: {  	_ =	swait.ge [sflag:s4], $0x500  }
0xa: {  	s6 =	simm.s32 $0x140;
	[sflag:s4] =	ssyncset.done $0x0  }
0xb: {  	s7 =	simm.s32 $0x500;
	s5 =	sadd.s32 $0x2A00, s5;
	[sflag:s4] =	ssyncadd.s32 $0xFFFFFB00  }
0xc: {  	[tilespmem:s7], [sflag:$0x1] =	stream.indirect.gather [hbm4b:s5+s6], $0x80, s2, s6, $0xb8;
	[tilespmem:$0x1E500] =	vst v63  }
0xd: {  	s8 =	simm.s32 $0xA500;
	s9 =	simm.s32 $0x1  }
0xe: {  	[tilespmem:s8], [sflag:$0x2] =	stream.indirect.gather [hbm4b:s5+s6], $0x80, s6, s6, $0xb8;
	[tilespmem:$0x1E500] =	vst v63  }
0xf: {  	_ =	swait.ge [sflag:s9], $0xA000  }
0x10: {  	s10 =	simm.s32 $0x280;
	[sflag:s9] =	ssyncset.done $0x0  }
0x11: {  	s11 =	simm.s32 $0x14500;
	s12 =	smul.u32 $0x5000, s14;
	[sflag:s9] =	ssyncadd.s32 $0xFFFF6000  }
0x12: {  	[tilespmem:s11], [sflag:$0x3] =	stream.indirect.gather [hbm4b:s5+s6], $0x80, s10, s6, $0xb8;
	[tilespmem:$0x1E500] =	vst v63  }
0x13: {  	s13 =	simm.s32 $0x2;
	s12 =	sadd.s32 s15, s12  }
0x14: {  	[hbm4b:s12+s2] =	stream.linear.scatter [tilespmem:s7], [sflag:$0x4], $0xA000, $0x38;
	[tilespmem:$0x1E500] =	vst v63  }
0x15: {  	_ =	swait.ge [sflag:s13], $0xA000  }
0x16: {  	[sflag:s13] =	ssyncset.done $0x0  }
0x17: {  	s16 =	smul.u32 $0x28000, s14;
	s14 =	simm.s32 $0x4;
	[sflag:s13] =	ssyncadd.s32 $0xFFFF6000  }
0x18: {  	_ =	swait.ge [sflag:s14], $0xA000  }
0x19: {  	s16 =	sshrl.u32 s16, $0x3;
	[sflag:s14] =	ssyncset.done $0x0  }
0x1a: {  	s19 =	sadd.s32 s15, s16;
	s15 =	simm.s32 $0x3C0;
	[sflag:s14] =	ssyncadd.s32 $0xFFFF6000  }
0x1b: {  	[tilespmem:s7], [sflag:$0x1] =	stream.indirect.gather [hbm4b:s5+s6], $0x80, s15, s6, $0xb8;
	[tilespmem:$0x1E500] =	vst v63  }
0x1c: {  	s17 =	simm.s32 $0x3;
	s16 =	sadd.s32 $0x1400, s19  }
0x1d: {  	[hbm4b:s16+s2] =	stream.linear.scatter [tilespmem:s8], [sflag:$0x5], $0xA000, $0x38;
	[tilespmem:$0x1E500] =	vst v63  }
0x1e: {  	_ =	swait.ge [sflag:s17], $0xA000  }
0x1f: {  	[sflag:s17] =	ssyncset.done $0x0  }
0x20: {  	s18 =	sadd.s32 $0x2800, s19;
	[sflag:s17] =	ssyncadd.s32 $0xFFFF6000  }
0x21: {  	[hbm4b:s18+s2] =	stream.linear.scatter [tilespmem:s11], [sflag:$0x6], $0xA000, $0x38;
	[tilespmem:$0x1E500] =	vst v63  }
0x22: {  	_ =	swait.ge [sflag:s9], $0xA000  }
0x23: {  	s21 =	ssub.s32 $0x2, s20;
	[sflag:s9] =	ssyncset.done $0x0  }
0x24: {  	s22 =	sshrl.u32 s21, $0x1;
	s19 =	sadd.s32 $0x3C00, s19;
	[sflag:s9] =	ssyncadd.s32 $0xFFFF6000  }
0x25: {  	[hbm4b:s19+s2] =	stream.linear.scatter [tilespmem:s7], [sflag:$0x4], $0xA000, $0x38;
	[tilespmem:$0x1E500] =	vst v63  }
0x26: {  	s21 =	ssub.s32 s21, s22;
	_ =	swait.ge [sflag:s14], $0xA000  }
0x27: {  	s22 =	smax.u32 s21, $0x1;
	[sflag:s14] =	ssyncset.done $0x0  }
0x28: {  	s20 =	simm.s32 $0x5;
	p0 =	sne.s32 s22, $0x1;
	[sflag:s14] =	ssyncadd.s32 $0xFFFF6000  }
.Ltmp0:
0x29: {  	_ =	swait.ge [sflag:s20], $0xA000;
	(pc) =	sbr.rel @!p0 .LBB2_2-.Ltmp0, $4  }
0x2a: {  	[sflag:s20] =	ssyncset.done $0x0  }
0x2b: {  	s21 =	simm.s32 $0x6;
	[sflag:s20] =	ssyncadd.s32 $0xFFFF6000  }
0x2c: {  	_ =	swait.ge [sflag:s21], $0xA000  }
0x2d: {  	s22 =	sadd.s32 $0xFFFFFFFF, s22;
	[sflag:s21] =	ssyncset.done $0x0  }
.LBB2_1:
0x2e: {  	p0 =	sne.s32 s22, $0x1;
	s22 =	sadd.s32 $0xFFFFFFFF, s22;
	[sflag:s21] =	ssyncadd.s32 $0xFFFF6000  }
0x2f: {  	[tilespmem:s2], [sflag:$0x7] =	stream.linear.gather [hbm4b:s3+s2], $0x500, $0x38;
	[tilespmem:$0x1E500] =	vst v63  }
0x30: {  	_ =	swait.ge [sflag:s4], $0x500  }
0x31: {  	[sflag:s4] =	ssyncset.done $0x0  }
0x32: {  	[sflag:s4] =	ssyncadd.s32 $0xFFFFFB00  }
0x33: {  	[tilespmem:s7], [sflag:$0x1] =	stream.indirect.gather [hbm4b:s5+s6], $0x80, s2, s6, $0xb8;
	[tilespmem:$0x1E500] =	vst v63  }
0x34: {  	_ = 	snop  }
0x35: {  	[tilespmem:s8], [sflag:$0x2] =	stream.indirect.gather [hbm4b:s5+s6], $0x80, s6, s6, $0xb8;
	[tilespmem:$0x1E500] =	vst v63  }
0x36: {  	_ =	swait.ge [sflag:s9], $0xA000  }
0x37: {  	[sflag:s9] =	ssyncset.done $0x0  }
0x38: {  	[sflag:s9] =	ssyncadd.s32 $0xFFFF6000  }
0x39: {  	[tilespmem:s11], [sflag:$0x3] =	stream.indirect.gather [hbm4b:s5+s6], $0x80, s10, s6, $0xb8;
	[tilespmem:$0x1E500] =	vst v63  }
0x3a: {  	_ = 	snop  }
0x3b: {  	[hbm4b:s12+s2] =	stream.linear.scatter [tilespmem:s7], [sflag:$0x4], $0xA000, $0x38;
	[tilespmem:$0x1E500] =	vst v63  }
0x3c: {  	_ =	swait.ge [sflag:s13], $0xA000  }
0x3d: {  	[sflag:s13] =	ssyncset.done $0x0  }
0x3e: {  	[sflag:s13] =	ssyncadd.s32 $0xFFFF6000  }
0x3f: {  	_ =	swait.ge [sflag:s14], $0xA000  }
0x40: {  	[sflag:s14] =	ssyncset.done $0x0  }
0x41: {  	[sflag:s14] =	ssyncadd.s32 $0xFFFF6000  }
0x42: {  	[tilespmem:s7], [sflag:$0x1] =	stream.indirect.gather [hbm4b:s5+s6], $0x80, s15, s6, $0xb8;
	[tilespmem:$0x1E500] =	vst v63  }
0x43: {  	_ = 	snop  }
0x44: {  	[hbm4b:s16+s2] =	stream.linear.scatter [tilespmem:s8], [sflag:$0x5], $0xA000, $0x38;
	[tilespmem:$0x1E500] =	vst v63  }
0x45: {  	_ =	swait.ge [sflag:s17], $0xA000  }
0x46: {  	[sflag:s17] =	ssyncset.done $0x0  }
0x47: {  	[sflag:s17] =	ssyncadd.s32 $0xFFFF6000  }
0x48: {  	[hbm4b:s18+s2] =	stream.linear.scatter [tilespmem:s11], [sflag:$0x6], $0xA000, $0x38;
	[tilespmem:$0x1E500] =	vst v63  }
0x49: {  	_ =	swait.ge [sflag:s9], $0xA000  }
0x4a: {  	[sflag:s9] =	ssyncset.done $0x0  }
0x4b: {  	[sflag:s9] =	ssyncadd.s32 $0xFFFF6000  }
0x4c: {  	[hbm4b:s19+s2] =	stream.linear.scatter [tilespmem:s7], [sflag:$0x4], $0xA000, $0x38;
	[tilespmem:$0x1E500] =	vst v63  }
0x4d: {  	_ =	swait.ge [sflag:s14], $0xA000  }
0x4e: {  	[sflag:s14] =	ssyncset.done $0x0  }
0x4f: {  	[sflag:s14] =	ssyncadd.s32 $0xFFFF6000  }
.Ltmp1:
0x50: {  	_ =	swait.ge [sflag:s20], $0xA000;
	(pc) =	sbr.rel @p0 .LBB2_1-.Ltmp1, $4  }
0x51: {  	[sflag:s20] =	ssyncset.done $0x0  }
0x52: {  	[sflag:s20] =	ssyncadd.s32 $0xFFFF6000  }
0x53: {  	_ =	swait.ge [sflag:s21], $0xA000  }
0x54: {  	[sflag:s21] =	ssyncset.done $0x0  }
.LBB2_2:
0x55: {  	[sflag:s21] =	ssyncadd.s32 $0xFFFF6000  }
0x56: {  	_ =	sfence.sel $0x180000  }
0x57: {  	[bflag:$0x0] =	sbarrier.arrive $0xFFFF  }
0x58: {  	p0 =	sne.s32 s0, $0x0;
	_ =	strace $0x90000047  }
0x59: {  	s0 =	sadd.s32 @!p0 $0x100000, s1;
	[bflag:$0x2] =	sbarrier.arrive $0xFFFF  }
0x5a: {  	[sflag:s0] =	ssyncadd.tile.s32 @!p0 $0x1;
	_ =	shalt  }
.Lfunc_end2:
_tile_overlayer_lowered:
.L_overlay_start_2:
0x5b: {  	(tag) =	ssettag $0x2  }
0x5c: {  	s0 =	rddreg [dreg:$0x0];
	s2 =	stileid.u32  }
0x5d: {  	s1 =	rddreg [dreg:$0x1];
	p0 =	sne.s32 s2, $0x0  }
0x5e: {  	s3 =	rddreg [dreg:$0x2];
	[bflag:$0x3] =	sbarrier.arrive $0xFFFF;
	s2 =	simm.s32 @!p0 $0x1C07  }
0x5f: {  	[timem:s3], [sflag:s2] =	dma.local @!p0 [hbm:s0], s1  }
0x60: {  	s0 =	simm.s32 @!p0 $0x7  }
0x61: {  	_ =	swait.ge @!p0 [sflag:s0], s1  }
0x62: {  	s1 =	ssub.s32 @!p0 $0x0, s1;
	[sflag:s0] =	ssyncset.done @!p0 $0x0  }
0x63: {  	[sflag:s0] =	ssyncadd.s32 @!p0 s1  }
0x64: {  	[bflag:$0x3] =	sbarrier.arrive $0xFFFF  }
0x65: {  	_ =	shalt  }

</sc_bundles>
